<compile_context>
chip_gen: v7x
topology: tpu7x:2x2x1
jax: 0.10.2.dev20260603
libtpu: 0.0.44.dev20260713+nightly
codegen_flags: <defaults>
</compile_context>

<pallas_src>
import functools

import jax
import jax.numpy as jnp
from jax import lax
from jax.experimental import pallas as pl
from jax.experimental.pallas import tpu as pltpu
from jax.experimental.pallas import tpu_sc as plsc

B = 4096
L = 200
D = 64
CTX = 200
V = 1000000
N = B * L

NC = 2
NS = 16
NW = NC * NS
R = N // NW
C = 128
SUB = 128
NSUB = C // SUB
NCHUNK = R // C
W = 2 * D
NBUF = 4
IDX_ROWS = N // SUB


def _impl(x2d, pos2d, emb, ptab):
    mesh = plsc.VectorSubcoreMesh(core_axis_name="c", subcore_axis_name="s")

    @functools.partial(
        pl.kernel,
        mesh=mesh,
        compiler_params=pltpu.CompilerParams(use_tc_tiling_on_sc=False),
        out_type=jax.ShapeDtypeStruct((N, W), jnp.float32),
        scratch_types=[
            pltpu.VMEM((NBUF, NSUB, SUB), jnp.int32),
            pltpu.VMEM((NBUF, NSUB, SUB), jnp.int32),
            pltpu.VMEM((NBUF, C, W), jnp.float32),
            pltpu.VMEM_SHARED((CTX, W), jnp.float32),
            pltpu.SemaphoreType.DMA,
            pltpu.SemaphoreType.DMA,
            pltpu.SemaphoreType.DMA,
            pltpu.SemaphoreType.DMA,
        ],
    )
    def k(x_hbm, p_hbm, emb_hbm, ptab_hbm, out_hbm,
          idx_v, pidx_v, rows_v, ptab_s, sem_i, sem_g, sem_a, sem_o):
        wid = lax.axis_index("s") * NC + lax.axis_index("c")
        irow0 = wid * (R // SUB)
        row0 = wid * R
        def issue_I(c, b):
            irow = irow0 + c * NSUB
            pltpu.async_copy(x_hbm.at[pl.ds(irow, NSUB)], idx_v.at[b], sem_i)
            pltpu.async_copy(p_hbm.at[pl.ds(irow, NSUB)], pidx_v.at[b], sem_i)

        def wait_I(b):
            pltpu.make_async_copy(x_hbm.at[pl.ds(0, NSUB)], idx_v.at[b], sem_i).wait()
            pltpu.make_async_copy(p_hbm.at[pl.ds(0, NSUB)], pidx_v.at[b], sem_i).wait()

        def issue_E(b):
            for j in range(NSUB):
                pltpu.async_copy(
                    emb_hbm.at[idx_v.at[b, j]],
                    rows_v.at[b].at[pl.ds(j * SUB, SUB)], sem_g)

        def wait_E(b):
            pltpu.make_async_copy(
                out_hbm.at[pl.ds(0, C)], rows_v.at[b], sem_g).wait()

        def issue_P(b):
            for j in range(NSUB):
                pltpu.async_copy(
                    ptab_s.at[pidx_v.at[b, j]],
                    rows_v.at[b].at[pl.ds(j * SUB, SUB)], sem_a, add=True)

        def wait_P(b):
            pltpu.make_async_copy(
                out_hbm.at[pl.ds(0, C)], rows_v.at[b], sem_a).wait()

        def issue_S(c, b):
            pltpu.async_copy(rows_v.at[b], out_hbm.at[pl.ds(row0 + c * C, C)], sem_o)

        def wait_S(b):
            pltpu.make_async_copy(
                rows_v.at[b], out_hbm.at[pl.ds(0, C)], sem_o).wait()

        @pl.when(lax.axis_index("s") == 0)
        def _():
            pltpu.sync_copy(ptab_hbm, ptab_s)
        plsc.subcore_barrier()

        pltpu.sync_copy(x_hbm.at[pl.ds(irow0, NSUB)], idx_v.at[0])
        pltpu.sync_copy(p_hbm.at[pl.ds(irow0, NSUB)], pidx_v.at[0])
        issue_E(0)
        issue_I(1, 1)
        for c in (1, 2, 3):
            b = c % NBUF
            wait_I(b)
            issue_E(b)
            issue_I(c + 1, (c + 1) % NBUF)
            wait_E((c - 1) % NBUF)
            issue_P((c - 1) % NBUF)
            if c >= 2:
                wait_P((c - 2) % NBUF)
                issue_S(c - 2, (c - 2) % NBUF)

        def body(t, carry):
            for b in range(NBUF):
                c = t * NBUF + b
                wait_S(b)
                wait_I(b)
                issue_E(b)
                @pl.when(c < NCHUNK - 1)
                def _():
                    issue_I(c + 1, (b + 1) % NBUF)
                wait_E((b - 1) % NBUF)
                issue_P((b - 1) % NBUF)
                wait_P((b - 2) % NBUF)
                issue_S(c - 2, (b - 2) % NBUF)
            return carry

        lax.fori_loop(1, NCHUNK // NBUF, body, 0)

        last = NCHUNK - 1
        wait_E(last % NBUF)
        issue_P(last % NBUF)
        wait_P((last - 1) % NBUF)
        issue_S(last - 1, (last - 1) % NBUF)
        wait_P(last % NBUF)
        issue_S(last, last % NBUF)
        for b in range(NBUF):
            wait_S(b)

    return k(x2d, pos2d, emb, ptab)


def kernel(x, _pos, embedding_table, positional_table):
    x2d = x.T.reshape(IDX_ROWS, SUB)
    pos2d = _pos.T.reshape(IDX_ROWS, SUB)
    embp = jnp.pad(embedding_table, ((0, 0), (0, D)))
    ptabp = jnp.pad(positional_table, ((0, 0), (0, D)))
    out = _impl(x2d, pos2d, embp, ptabp)
    return out[:, :D].reshape(L, B, D).transpose(1, 0, 2)

# --- scband reference (transcript-rebuilt; emitter-appended) ---
"""Pipeline reference for scband-discrete-embedding-68169720922886 (READ-ONLY COPY).

The authoritative reference and input builder live on the scoring server;
editing this copy changes nothing except your own understanding.
"""

import jax, jax.numpy as jnp
import numpy as np

B = 4096
L = 200
VOCAB = 1000000
CTX = 200
D = 64

def setup_inputs(seed: int = 0) -> dict:
    key = jax.random.key(seed)
    k1, k2, k3, k4 = jax.random.split(key, 4)
    x = jax.random.randint(k1, (B, L), 0, VOCAB, dtype=jnp.int32)
    _pos = jax.random.randint(k2, (B, L), 0, CTX, dtype=jnp.int32)
    embedding_table = jax.random.normal(k3, (VOCAB, D), dtype=jnp.float32) * 0.02
    positional_table = jax.random.normal(k4, (CTX, D), dtype=jnp.float32) * 0.02
    return {"x": x, "_pos": _pos, "embedding_table": embedding_table, "positional_table": positional_table}

def reference(x, _pos, embedding_table, positional_table):
    # embed = self.embedding(x)
    embed = jnp.take(embedding_table, x, axis=0)
    # _pos = self.positional(_pos)
    pos_embed = jnp.take(positional_table, _pos, axis=0)
    # dropout in eval mode = identity
    out = pos_embed + embed
    return out

if __name__ == "__main__":
    import jax
    _d = setup_inputs()
    print(jax.jit(kernel)(*tuple(_d.values())))

</pallas_src>

<mosaic_0001>
#map = affine_map<(d0, d1) -> (0, 0)>
module attributes {stable_mosaic.version = 14 : i64} {
  func.func @k(%arg0: i32, %arg1: i32, %arg2: memref<6400x128xi32, #tpu.memory_space<hbm>>, %arg3: memref<6400x128xi32, #tpu.memory_space<hbm>>, %arg4: memref<1000000x128xf32, #tpu.memory_space<hbm>>, %arg5: memref<200x128xf32, #tpu.memory_space<hbm>>, %arg6: memref<819200x128xf32, #tpu.memory_space<hbm>>, %arg7: memref<4x1x128xi32, #tpu.memory_space<vmem>>, %arg8: memref<4x1x128xi32, #tpu.memory_space<vmem>>, %arg9: memref<4x128x128xf32, #tpu.memory_space<vmem>>, %arg10: memref<200x128xf32, #tpu.memory_space<vmem_shared>>, %arg11: memref<!tpu.dma_semaphore, #tpu.memory_space<semaphore_mem>>, %arg12: memref<!tpu.dma_semaphore, #tpu.memory_space<semaphore_mem>>, %arg13: memref<!tpu.dma_semaphore, #tpu.memory_space<semaphore_mem>>, %arg14: memref<!tpu.dma_semaphore, #tpu.memory_space<semaphore_mem>>) attributes {dimension_semantics = [#tpu.dimension_semantics<core_parallel>, #tpu.dimension_semantics<subcore_parallel>], iteration_bounds = array<i64: 2, 16>, scalar_prefetch = 0 : i64, scratch_operands = 8 : i64, tpu.core_type = #tpu.core_type<sc_vector_subcore>, window_params = [{transform_indices = #map}, {transform_indices = #map}, {transform_indices = #map}, {transform_indices = #map}, {transform_indices = #map}]} {
    %mul3A = arith.constant 2 : i32
    %mul3A_0 = arith.muli %arg1, %mul3A : i32
    %add3A = arith.addi %mul3A_0, %arg0 : i32
    %mul3A_1 = arith.constant 200 : i32
    %mul3A_2 = arith.muli %add3A, %mul3A_1 : i32
    %mul3A_3 = arith.constant 25600 : i32
    %mul3A_4 = arith.muli %add3A, %mul3A_3 : i32
    %eq3A = arith.constant 0 : i32
    %eq3A_5 = arith.cmpi eq, %arg1, %eq3A : i32
    %convert_element_type3A = arith.extui %eq3A_5 : i1 to i32
    %cond3A = arith.constant 0 : i32
    %cond3A_6 = arith.cmpi ne, %convert_element_type3A, %cond3A : i32
    scf.if %cond3A_6 {
      "tpu.region"() ({
        %run_scoped3A_581 = tpu.sem_alloc : memref<!tpu.dma_semaphore, #tpu.memory_space<semaphore_mem>>
        tpu.enqueue_dma source(%arg5 : memref<200x128xf32, #tpu.memory_space<hbm>>) target(%arg10 : memref<200x128xf32, #tpu.memory_space<vmem_shared>>) target_semaphore(%run_scoped3A_581 : memref<!tpu.dma_semaphore, #tpu.memory_space<semaphore_mem>>)
        tpu.wait_dma2 semaphore(%run_scoped3A_581 : memref<!tpu.dma_semaphore, #tpu.memory_space<semaphore_mem>>) src(%arg5 : memref<200x128xf32, #tpu.memory_space<hbm>>) dst(%arg10 : memref<200x128xf32, #tpu.memory_space<vmem_shared>>)
        tpu.yield
      }) : () -> ()
    } else {
    }
    %barrier3A = arith.constant 0 : index
    tpu.barrier barrier_id(%barrier3A)
    %run_scoped3A = arith.constant 0 : i32
    "tpu.region"() ({
      %run_scoped3A_581 = tpu.sem_alloc : memref<!tpu.dma_semaphore, #tpu.memory_space<semaphore_mem>>
      %dma_start3A_582 = arith.constant 0 : i32
      %dma_start3A_583 = arith.constant 0 : i32
      %dma_start3A_584 = tpu.memref_slice %arg7[%run_scoped3A, %dma_start3A_582, %dma_start3A_583] : memref<4x1x128xi32, #tpu.memory_space<vmem>> -> memref<1x1x128xi32, #tpu.memory_space<vmem>>
      %dma_start3A_585 = tpu.memref_squeeze %dma_start3A_584 : memref<1x1x128xi32, #tpu.memory_space<vmem>> -> memref<1x128xi32, #tpu.memory_space<vmem>>
      %dma_start3A_586 = arith.constant 0 : i32
      %dma_start3A_587 = tpu.memref_slice %arg2[%mul3A_2, %dma_start3A_586] : memref<6400x128xi32, #tpu.memory_space<hbm>> -> memref<1x128xi32, #tpu.memory_space<hbm>>
      %dma_start3A_588 = arith.constant 0 : i32
      %dma_start3A_589 = arith.constant 0 : i32
      %dma_start3A_590 = tpu.memref_slice %arg7[%run_scoped3A, %dma_start3A_588, %dma_start3A_589] : memref<4x1x128xi32, #tpu.memory_space<vmem>> -> memref<1x1x128xi32, #tpu.memory_space<vmem>>
      %dma_start3A_591 = tpu.memref_squeeze %dma_start3A_590 : memref<1x1x128xi32, #tpu.memory_space<vmem>> -> memref<1x128xi32, #tpu.memory_space<vmem>>
      %dma_start3A_592 = arith.constant 0 : i32
      %dma_start3A_593 = tpu.memref_slice %arg2[%mul3A_2, %dma_start3A_592] : memref<6400x128xi32, #tpu.memory_space<hbm>> -> memref<1x128xi32, #tpu.memory_space<hbm>>
      tpu.enqueue_dma source(%dma_start3A_593 : memref<1x128xi32, #tpu.memory_space<hbm>>) target(%dma_start3A_591 : memref<1x128xi32, #tpu.memory_space<vmem>>) target_semaphore(%run_scoped3A_581 : memref<!tpu.dma_semaphore, #tpu.memory_space<semaphore_mem>>)
      %dma_wait3A_594 = arith.constant 0 : i32
      %dma_wait3A_595 = arith.constant 0 : i32
      %dma_wait3A_596 = tpu.memref_slice %arg7[%run_scoped3A, %dma_wait3A_594, %dma_wait3A_595] : memref<4x1x128xi32, #tpu.memory_space<vmem>> -> memref<1x1x128xi32, #tpu.memory_space<vmem>>
      %dma_wait3A_597 = tpu.memref_squeeze %dma_wait3A_596 : memref<1x1x128xi32, #tpu.memory_space<vmem>> -> memref<1x128xi32, #tpu.memory_space<vmem>>
      %dma_wait3A_598 = arith.constant 0 : i32
      %dma_wait3A_599 = tpu.memref_slice %arg2[%mul3A_2, %dma_wait3A_598] : memref<6400x128xi32, #tpu.memory_space<hbm>> -> memref<1x128xi32, #tpu.memory_space<hbm>>
      %dma_wait3A_600 = arith.constant 0 : i32
      %dma_wait3A_601 = arith.constant 0 : i32
      %dma_wait3A_602 = tpu.memref_slice %arg7[%run_scoped3A, %dma_wait3A_600, %dma_wait3A_601] : memref<4x1x128xi32, #tpu.memory_space<vmem>> -> memref<1x1x128xi32, #tpu.memory_space<vmem>>
      %dma_wait3A_603 = tpu.memref_squeeze %dma_wait3A_602 : memref<1x1x128xi32, #tpu.memory_space<vmem>> -> memref<1x128xi32, #tpu.memory_space<vmem>>
      %dma_wait3A_604 = arith.constant 0 : i32
      %dma_wait3A_605 = tpu.memref_slice %arg2[%mul3A_2, %dma_wait3A_604] : memref<6400x128xi32, #tpu.memory_space<hbm>> -> memref<1x128xi32, #tpu.memory_space<hbm>>
      tpu.wait_dma2 semaphore(%run_scoped3A_581 : memref<!tpu.dma_semaphore, #tpu.memory_space<semaphore_mem>>) src(%dma_wait3A_605 : memref<1x128xi32, #tpu.memory_space<hbm>>) dst(%dma_wait3A_603 : memref<1x128xi32, #tpu.memory_space<vmem>>)
      tpu.yield
    }) : () -> ()
    %run_scoped3A_7 = arith.constant 0 : i32
    "tpu.region"() ({
      %run_scoped3A_581 = tpu.sem_alloc : memref<!tpu.dma_semaphore, #tpu.memory_space<semaphore_mem>>
      %dma_start3A_582 = arith.constant 0 : i32
      %dma_start3A_583 = arith.constant 0 : i32
      %dma_start3A_584 = tpu.memref_slice %arg8[%run_scoped3A_7, %dma_start3A_582, %dma_start3A_583] : memref<4x1x128xi32, #tpu.memory_space<vmem>> -> memref<1x1x128xi32, #tpu.memory_space<vmem>>
      %dma_start3A_585 = tpu.memref_squeeze %dma_start3A_584 : memref<1x1x128xi32, #tpu.memory_space<vmem>> -> memref<1x128xi32, #tpu.memory_space<vmem>>
      %dma_start3A_586 = arith.constant 0 : i32
      %dma_start3A_587 = tpu.memref_slice %arg3[%mul3A_2, %dma_start3A_586] : memref<6400x128xi32, #tpu.memory_space<hbm>> -> memref<1x128xi32, #tpu.memory_space<hbm>>
      %dma_start3A_588 = arith.constant 0 : i32
      %dma_start3A_589 = arith.constant 0 : i32
      %dma_start3A_590 = tpu.memref_slice %arg8[%run_scoped3A_7, %dma_start3A_588, %dma_start3A_589] : memref<4x1x128xi32, #tpu.memory_space<vmem>> -> memref<1x1x128xi32, #tpu.memory_space<vmem>>
      %dma_start3A_591 = tpu.memref_squeeze %dma_start3A_590 : memref<1x1x128xi32, #tpu.memory_space<vmem>> -> memref<1x128xi32, #tpu.memory_space<vmem>>
      %dma_start3A_592 = arith.constant 0 : i32
      %dma_start3A_593 = tpu.memref_slice %arg3[%mul3A_2, %dma_start3A_592] : memref<6400x128xi32, #tpu.memory_space<hbm>> -> memref<1x128xi32, #tpu.memory_space<hbm>>
      tpu.enqueue_dma source(%dma_start3A_593 : memref<1x128xi32, #tpu.memory_space<hbm>>) target(%dma_start3A_591 : memref<1x128xi32, #tpu.memory_space<vmem>>) target_semaphore(%run_scoped3A_581 : memref<!tpu.dma_semaphore, #tpu.memory_space<semaphore_mem>>)
      %dma_wait3A_594 = arith.constant 0 : i32
      %dma_wait3A_595 = arith.constant 0 : i32
      %dma_wait3A_596 = tpu.memref_slice %arg8[%run_scoped3A_7, %dma_wait3A_594, %dma_wait3A_595] : memref<4x1x128xi32, #tpu.memory_space<vmem>> -> memref<1x1x128xi32, #tpu.memory_space<vmem>>
      %dma_wait3A_597 = tpu.memref_squeeze %dma_wait3A_596 : memref<1x1x128xi32, #tpu.memory_space<vmem>> -> memref<1x128xi32, #tpu.memory_space<vmem>>
      %dma_wait3A_598 = arith.constant 0 : i32
      %dma_wait3A_599 = tpu.memref_slice %arg3[%mul3A_2, %dma_wait3A_598] : memref<6400x128xi32, #tpu.memory_space<hbm>> -> memref<1x128xi32, #tpu.memory_space<hbm>>
      %dma_wait3A_600 = arith.constant 0 : i32
      %dma_wait3A_601 = arith.constant 0 : i32
      %dma_wait3A_602 = tpu.memref_slice %arg8[%run_scoped3A_7, %dma_wait3A_600, %dma_wait3A_601] : memref<4x1x128xi32, #tpu.memory_space<vmem>> -> memref<1x1x128xi32, #tpu.memory_space<vmem>>
      %dma_wait3A_603 = tpu.memref_squeeze %dma_wait3A_602 : memref<1x1x128xi32, #tpu.memory_space<vmem>> -> memref<1x128xi32, #tpu.memory_space<vmem>>
      %dma_wait3A_604 = arith.constant 0 : i32
      %dma_wait3A_605 = tpu.memref_slice %arg3[%mul3A_2, %dma_wait3A_604] : memref<6400x128xi32, #tpu.memory_space<hbm>> -> memref<1x128xi32, #tpu.memory_space<hbm>>
      tpu.wait_dma2 semaphore(%run_scoped3A_581 : memref<!tpu.dma_semaphore, #tpu.memory_space<semaphore_mem>>) src(%dma_wait3A_605 : memref<1x128xi32, #tpu.memory_space<hbm>>) dst(%dma_wait3A_603 : memref<1x128xi32, #tpu.memory_space<vmem>>)
      tpu.yield
    }) : () -> ()
    %dma_start3A = arith.constant 0 : i32
    %dma_start3A_8 = arith.constant 0 : i32
    %dma_start3A_9 = arith.constant 0 : i32
    %dma_start3A_10 = arith.constant 0 : i32
    %dma_start3A_11 = arith.constant 0 : i32
    %dma_start3A_12 = tpu.memref_slice %arg9[%dma_start3A_9, %dma_start3A_10, %dma_start3A_11] : memref<4x128x128xf32, #tpu.memory_space<vmem>> -> memref<1x128x128xf32, #tpu.memory_space<vmem>>
    %dma_start3A_13 = tpu.memref_squeeze %dma_start3A_12 : memref<1x128x128xf32, #tpu.memory_space<vmem>> -> memref<128x128xf32, #tpu.memory_space<vmem>>
    %dma_start3A_14 = arith.constant 0 : i32
    %dma_start3A_15 = arith.constant 0 : i32
    %dma_start3A_16 = tpu.memref_slice %dma_start3A_13[%dma_start3A_14, %dma_start3A_15] : memref<128x128xf32, #tpu.memory_space<vmem>> -> memref<128x128xf32, #tpu.memory_space<vmem>>
    %dma_start3A_17 = arith.constant 0 : i32
    %dma_start3A_18 = tpu.memref_slice %arg7[%dma_start3A, %dma_start3A_8, %dma_start3A_17] : memref<4x1x128xi32, #tpu.memory_space<vmem>> -> memref<1x1x128xi32, #tpu.memory_space<vmem>>
    %dma_start3A_19 = tpu.memref_squeeze %dma_start3A_18 : memref<1x1x128xi32, #tpu.memory_space<vmem>> -> memref<128xi32, #tpu.memory_space<vmem>>
    %dma_start3A_20 = arith.constant 0 : i32
    %dma_start3A_21 = arith.constant 0 : i32
    %dma_start3A_22 = tpu.memref_slice %arg4[%dma_start3A_20, %dma_start3A_21] : memref<1000000x128xf32, #tpu.memory_space<hbm>> -> memref<1000000x128xf32, #tpu.memory_space<hbm>>
    tpu.enqueue_indirect_dma source(%dma_start3A_22 : memref<1000000x128xf32, #tpu.memory_space<hbm>>) target(%dma_start3A_16 : memref<128x128xf32, #tpu.memory_space<vmem>>) offsets(%dma_start3A_19 : memref<128xi32, #tpu.memory_space<vmem>>) semaphore(%arg12 : memref<!tpu.dma_semaphore, #tpu.memory_space<semaphore_mem>>)
    %add3A_23 = arith.constant 1 : i32
    %add3A_24 = arith.addi %mul3A_2, %add3A_23 : i32
    %dma_start3A_25 = arith.constant 1 : i32
    %dma_start3A_26 = arith.constant 0 : i32
    %dma_start3A_27 = arith.constant 0 : i32
    %dma_start3A_28 = tpu.memref_slice %arg7[%dma_start3A_25, %dma_start3A_26, %dma_start3A_27] : memref<4x1x128xi32, #tpu.memory_space<vmem>> -> memref<1x1x128xi32, #tpu.memory_space<vmem>>
    %dma_start3A_29 = tpu.memref_squeeze %dma_start3A_28 : memref<1x1x128xi32, #tpu.memory_space<vmem>> -> memref<1x128xi32, #tpu.memory_space<vmem>>
    %dma_start3A_30 = arith.constant 0 : i32
    %dma_start3A_31 = tpu.memref_slice %arg2[%add3A_24, %dma_start3A_30] : memref<6400x128xi32, #tpu.memory_space<hbm>> -> memref<1x128xi32, #tpu.memory_space<hbm>>
    %dma_start3A_32 = arith.constant 0 : i32
    %dma_start3A_33 = arith.constant 0 : i32
    %dma_start3A_34 = tpu.memref_slice %arg7[%dma_start3A_25, %dma_start3A_32, %dma_start3A_33] : memref<4x1x128xi32, #tpu.memory_space<vmem>> -> memref<1x1x128xi32, #tpu.memory_space<vmem>>
    %dma_start3A_35 = tpu.memref_squeeze %dma_start3A_34 : memref<1x1x128xi32, #tpu.memory_space<vmem>> -> memref<1x128xi32, #tpu.memory_space<vmem>>
    %dma_start3A_36 = arith.constant 0 : i32
    %dma_start3A_37 = tpu.memref_slice %arg2[%add3A_24, %dma_start3A_36] : memref<6400x128xi32, #tpu.memory_space<hbm>> -> memref<1x128xi32, #tpu.memory_space<hbm>>
    tpu.enqueue_dma source(%dma_start3A_37 : memref<1x128xi32, #tpu.memory_space<hbm>>) target(%dma_start3A_35 : memref<1x128xi32, #tpu.memory_space<vmem>>) target_semaphore(%arg11 : memref<!tpu.dma_semaphore, #tpu.memory_space<semaphore_mem>>)
    %dma_start3A_38 = arith.constant 1 : i32
    %dma_start3A_39 = arith.constant 0 : i32
    %dma_start3A_40 = arith.constant 0 : i32
    %dma_start3A_41 = tpu.memref_slice %arg8[%dma_start3A_38, %dma_start3A_39, %dma_start3A_40] : memref<4x1x128xi32, #tpu.memory_space<vmem>> -> memref<1x1x128xi32, #tpu.memory_space<vmem>>
    %dma_start3A_42 = tpu.memref_squeeze %dma_start3A_41 : memref<1x1x128xi32, #tpu.memory_space<vmem>> -> memref<1x128xi32, #tpu.memory_space<vmem>>
    %dma_start3A_43 = arith.constant 0 : i32
    %dma_start3A_44 = tpu.memref_slice %arg3[%add3A_24, %dma_start3A_43] : memref<6400x128xi32, #tpu.memory_space<hbm>> -> memref<1x128xi32, #tpu.memory_space<hbm>>
    %dma_start3A_45 = arith.constant 0 : i32
    %dma_start3A_46 = arith.constant 0 : i32
    %dma_start3A_47 = tpu.memref_slice %arg8[%dma_start3A_38, %dma_start3A_45, %dma_start3A_46] : memref<4x1x128xi32, #tpu.memory_space<vmem>> -> memref<1x1x128xi32, #tpu.memory_space<vmem>>
    %dma_start3A_48 = tpu.memref_squeeze %dma_start3A_47 : memref<1x1x128xi32, #tpu.memory_space<vmem>> -> memref<1x128xi32, #tpu.memory_space<vmem>>
    %dma_start3A_49 = arith.constant 0 : i32
    %dma_start3A_50 = tpu.memref_slice %arg3[%add3A_24, %dma_start3A_49] : memref<6400x128xi32, #tpu.memory_space<hbm>> -> memref<1x128xi32, #tpu.memory_space<hbm>>
    tpu.enqueue_dma source(%dma_start3A_50 : memref<1x128xi32, #tpu.memory_space<hbm>>) target(%dma_start3A_48 : memref<1x128xi32, #tpu.memory_space<vmem>>) target_semaphore(%arg11 : memref<!tpu.dma_semaphore, #tpu.memory_space<semaphore_mem>>)
    %dma_wait3A = arith.constant 1 : i32
    %dma_wait3A_51 = arith.constant 0 : i32
    %dma_wait3A_52 = arith.constant 0 : i32
    %dma_wait3A_53 = tpu.memref_slice %arg7[%dma_wait3A, %dma_wait3A_51, %dma_wait3A_52] : memref<4x1x128xi32, #tpu.memory_space<vmem>> -> memref<1x1x128xi32, #tpu.memory_space<vmem>>
    %dma_wait3A_54 = tpu.memref_squeeze %dma_wait3A_53 : memref<1x1x128xi32, #tpu.memory_space<vmem>> -> memref<1x128xi32, #tpu.memory_space<vmem>>
    %dma_wait3A_55 = arith.constant 0 : i32
    %dma_wait3A_56 = arith.constant 0 : i32
    %dma_wait3A_57 = tpu.memref_slice %arg2[%dma_wait3A_55, %dma_wait3A_56] : memref<6400x128xi32, #tpu.memory_space<hbm>> -> memref<1x128xi32, #tpu.memory_space<hbm>>
    %dma_wait3A_58 = arith.constant 0 : i32
    %dma_wait3A_59 = arith.constant 0 : i32
    %dma_wait3A_60 = tpu.memref_slice %arg7[%dma_wait3A, %dma_wait3A_58, %dma_wait3A_59] : memref<4x1x128xi32, #tpu.memory_space<vmem>> -> memref<1x1x128xi32, #tpu.memory_space<vmem>>
    %dma_wait3A_61 = tpu.memref_squeeze %dma_wait3A_60 : memref<1x1x128xi32, #tpu.memory_space<vmem>> -> memref<1x128xi32, #tpu.memory_space<vmem>>
    %dma_wait3A_62 = arith.constant 0 : i32
    %dma_wait3A_63 = arith.constant 0 : i32
    %dma_wait3A_64 = tpu.memref_slice %arg2[%dma_wait3A_62, %dma_wait3A_63] : memref<6400x128xi32, #tpu.memory_space<hbm>> -> memref<1x128xi32, #tpu.memory_space<hbm>>
    tpu.wait_dma2 semaphore(%arg11 : memref<!tpu.dma_semaphore, #tpu.memory_space<semaphore_mem>>) src(%dma_wait3A_64 : memref<1x128xi32, #tpu.memory_space<hbm>>) dst(%dma_wait3A_61 : memref<1x128xi32, #tpu.memory_space<vmem>>)
    %dma_wait3A_65 = arith.constant 1 : i32
    %dma_wait3A_66 = arith.constant 0 : i32
    %dma_wait3A_67 = arith.constant 0 : i32
    %dma_wait3A_68 = tpu.memref_slice %arg8[%dma_wait3A_65, %dma_wait3A_66, %dma_wait3A_67] : memref<4x1x128xi32, #tpu.memory_space<vmem>> -> memref<1x1x128xi32, #tpu.memory_space<vmem>>
    %dma_wait3A_69 = tpu.memref_squeeze %dma_wait3A_68 : memref<1x1x128xi32, #tpu.memory_space<vmem>> -> memref<1x128xi32, #tpu.memory_space<vmem>>
    %dma_wait3A_70 = arith.constant 0 : i32
    %dma_wait3A_71 = arith.constant 0 : i32
    %dma_wait3A_72 = tpu.memref_slice %arg3[%dma_wait3A_70, %dma_wait3A_71] : memref<6400x128xi32, #tpu.memory_space<hbm>> -> memref<1x128xi32, #tpu.memory_space<hbm>>
    %dma_wait3A_73 = arith.constant 0 : i32
    %dma_wait3A_74 = arith.constant 0 : i32
    %dma_wait3A_75 = tpu.memref_slice %arg8[%dma_wait3A_65, %dma_wait3A_73, %dma_wait3A_74] : memref<4x1x128xi32, #tpu.memory_space<vmem>> -> memref<1x1x128xi32, #tpu.memory_space<vmem>>
    %dma_wait3A_76 = tpu.memref_squeeze %dma_wait3A_75 : memref<1x1x128xi32, #tpu.memory_space<vmem>> -> memref<1x128xi32, #tpu.memory_space<vmem>>
    %dma_wait3A_77 = arith.constant 0 : i32
    %dma_wait3A_78 = arith.constant 0 : i32
    %dma_wait3A_79 = tpu.memref_slice %arg3[%dma_wait3A_77, %dma_wait3A_78] : memref<6400x128xi32, #tpu.memory_space<hbm>> -> memref<1x128xi32, #tpu.memory_space<hbm>>
    tpu.wait_dma2 semaphore(%arg11 : memref<!tpu.dma_semaphore, #tpu.memory_space<semaphore_mem>>) src(%dma_wait3A_79 : memref<1x128xi32, #tpu.memory_space<hbm>>) dst(%dma_wait3A_76 : memref<1x128xi32, #tpu.memory_space<vmem>>)
    %dma_start3A_80 = arith.constant 1 : i32
    %dma_start3A_81 = arith.constant 0 : i32
    %dma_start3A_82 = arith.constant 1 : i32
    %dma_start3A_83 = arith.constant 0 : i32
    %dma_start3A_84 = arith.constant 0 : i32
    %dma_start3A_85 = tpu.memref_slice %arg9[%dma_start3A_82, %dma_start3A_83, %dma_start3A_84] : memref<4x128x128xf32, #tpu.memory_space<vmem>> -> memref<1x128x128xf32, #tpu.memory_space<vmem>>
    %dma_start3A_86 = tpu.memref_squeeze %dma_start3A_85 : memref<1x128x128xf32, #tpu.memory_space<vmem>> -> memref<128x128xf32, #tpu.memory_space<vmem>>
    %dma_start3A_87 = arith.constant 0 : i32
    %dma_start3A_88 = arith.constant 0 : i32
    %dma_start3A_89 = tpu.memref_slice %dma_start3A_86[%dma_start3A_87, %dma_start3A_88] : memref<128x128xf32, #tpu.memory_space<vmem>> -> memref<128x128xf32, #tpu.memory_space<vmem>>
    %dma_start3A_90 = arith.constant 0 : i32
    %dma_start3A_91 = tpu.memref_slice %arg7[%dma_start3A_80, %dma_start3A_81, %dma_start3A_90] : memref<4x1x128xi32, #tpu.memory_space<vmem>> -> memref<1x1x128xi32, #tpu.memory_space<vmem>>
    %dma_start3A_92 = tpu.memref_squeeze %dma_start3A_91 : memref<1x1x128xi32, #tpu.memory_space<vmem>> -> memref<128xi32, #tpu.memory_space<vmem>>
    %dma_start3A_93 = arith.constant 0 : i32
    %dma_start3A_94 = arith.constant 0 : i32
    %dma_start3A_95 = tpu.memref_slice %arg4[%dma_start3A_93, %dma_start3A_94] : memref<1000000x128xf32, #tpu.memory_space<hbm>> -> memref<1000000x128xf32, #tpu.memory_space<hbm>>
    tpu.enqueue_indirect_dma source(%dma_start3A_95 : memref<1000000x128xf32, #tpu.memory_space<hbm>>) target(%dma_start3A_89 : memref<128x128xf32, #tpu.memory_space<vmem>>) offsets(%dma_start3A_92 : memref<128xi32, #tpu.memory_space<vmem>>) semaphore(%arg12 : memref<!tpu.dma_semaphore, #tpu.memory_space<semaphore_mem>>)
    %add3A_96 = arith.constant 2 : i32
    %add3A_97 = arith.addi %mul3A_2, %add3A_96 : i32
    %dma_start3A_98 = arith.constant 2 : i32
    %dma_start3A_99 = arith.constant 0 : i32
    %dma_start3A_100 = arith.constant 0 : i32
    %dma_start3A_101 = tpu.memref_slice %arg7[%dma_start3A_98, %dma_start3A_99, %dma_start3A_100] : memref<4x1x128xi32, #tpu.memory_space<vmem>> -> memref<1x1x128xi32, #tpu.memory_space<vmem>>
    %dma_start3A_102 = tpu.memref_squeeze %dma_start3A_101 : memref<1x1x128xi32, #tpu.memory_space<vmem>> -> memref<1x128xi32, #tpu.memory_space<vmem>>
    %dma_start3A_103 = arith.constant 0 : i32
    %dma_start3A_104 = tpu.memref_slice %arg2[%add3A_97, %dma_start3A_103] : memref<6400x128xi32, #tpu.memory_space<hbm>> -> memref<1x128xi32, #tpu.memory_space<hbm>>
    %dma_start3A_105 = arith.constant 0 : i32
    %dma_start3A_106 = arith.constant 0 : i32
    %dma_start3A_107 = tpu.memref_slice %arg7[%dma_start3A_98, %dma_start3A_105, %dma_start3A_106] : memref<4x1x128xi32, #tpu.memory_space<vmem>> -> memref<1x1x128xi32, #tpu.memory_space<vmem>>
    %dma_start3A_108 = tpu.memref_squeeze %dma_start3A_107 : memref<1x1x128xi32, #tpu.memory_space<vmem>> -> memref<1x128xi32, #tpu.memory_space<vmem>>
    %dma_start3A_109 = arith.constant 0 : i32
    %dma_start3A_110 = tpu.memref_slice %arg2[%add3A_97, %dma_start3A_109] : memref<6400x128xi32, #tpu.memory_space<hbm>> -> memref<1x128xi32, #tpu.memory_space<hbm>>
    tpu.enqueue_dma source(%dma_start3A_110 : memref<1x128xi32, #tpu.memory_space<hbm>>) target(%dma_start3A_108 : memref<1x128xi32, #tpu.memory_space<vmem>>) target_semaphore(%arg11 : memref<!tpu.dma_semaphore, #tpu.memory_space<semaphore_mem>>)
    %dma_start3A_111 = arith.constant 2 : i32
    %dma_start3A_112 = arith.constant 0 : i32
    %dma_start3A_113 = arith.constant 0 : i32
    %dma_start3A_114 = tpu.memref_slice %arg8[%dma_start3A_111, %dma_start3A_112, %dma_start3A_113] : memref<4x1x128xi32, #tpu.memory_space<vmem>> -> memref<1x1x128xi32, #tpu.memory_space<vmem>>
    %dma_start3A_115 = tpu.memref_squeeze %dma_start3A_114 : memref<1x1x128xi32, #tpu.memory_space<vmem>> -> memref<1x128xi32, #tpu.memory_space<vmem>>
    %dma_start3A_116 = arith.constant 0 : i32
    %dma_start3A_117 = tpu.memref_slice %arg3[%add3A_97, %dma_start3A_116] : memref<6400x128xi32, #tpu.memory_space<hbm>> -> memref<1x128xi32, #tpu.memory_space<hbm>>
    %dma_start3A_118 = arith.constant 0 : i32
    %dma_start3A_119 = arith.constant 0 : i32
    %dma_start3A_120 = tpu.memref_slice %arg8[%dma_start3A_111, %dma_start3A_118, %dma_start3A_119] : memref<4x1x128xi32, #tpu.memory_space<vmem>> -> memref<1x1x128xi32, #tpu.memory_space<vmem>>
    %dma_start3A_121 = tpu.memref_squeeze %dma_start3A_120 : memref<1x1x128xi32, #tpu.memory_space<vmem>> -> memref<1x128xi32, #tpu.memory_space<vmem>>
    %dma_start3A_122 = arith.constant 0 : i32
    %dma_start3A_123 = tpu.memref_slice %arg3[%add3A_97, %dma_start3A_122] : memref<6400x128xi32, #tpu.memory_space<hbm>> -> memref<1x128xi32, #tpu.memory_space<hbm>>
    tpu.enqueue_dma source(%dma_start3A_123 : memref<1x128xi32, #tpu.memory_space<hbm>>) target(%dma_start3A_121 : memref<1x128xi32, #tpu.memory_space<vmem>>) target_semaphore(%arg11 : memref<!tpu.dma_semaphore, #tpu.memory_space<semaphore_mem>>)
    %dma_wait3A_124 = arith.constant 0 : i32
    %dma_wait3A_125 = arith.constant 0 : i32
    %dma_wait3A_126 = arith.constant 0 : i32
    %dma_wait3A_127 = tpu.memref_slice %arg9[%dma_wait3A_124, %dma_wait3A_125, %dma_wait3A_126] : memref<4x128x128xf32, #tpu.memory_space<vmem>> -> memref<1x128x128xf32, #tpu.memory_space<vmem>>
    %dma_wait3A_128 = tpu.memref_squeeze %dma_wait3A_127 : memref<1x128x128xf32, #tpu.memory_space<vmem>> -> memref<128x128xf32, #tpu.memory_space<vmem>>
    %dma_wait3A_129 = arith.constant 0 : i32
    %dma_wait3A_130 = arith.constant 0 : i32
    %dma_wait3A_131 = tpu.memref_slice %arg6[%dma_wait3A_129, %dma_wait3A_130] : memref<819200x128xf32, #tpu.memory_space<hbm>> -> memref<128x128xf32, #tpu.memory_space<hbm>>
    %dma_wait3A_132 = arith.constant 0 : i32
    %dma_wait3A_133 = arith.constant 0 : i32
    %dma_wait3A_134 = tpu.memref_slice %arg9[%dma_wait3A_124, %dma_wait3A_132, %dma_wait3A_133] : memref<4x128x128xf32, #tpu.memory_space<vmem>> -> memref<1x128x128xf32, #tpu.memory_space<vmem>>
    %dma_wait3A_135 = tpu.memref_squeeze %dma_wait3A_134 : memref<1x128x128xf32, #tpu.memory_space<vmem>> -> memref<128x128xf32, #tpu.memory_space<vmem>>
    %dma_wait3A_136 = arith.constant 0 : i32
    %dma_wait3A_137 = arith.constant 0 : i32
    %dma_wait3A_138 = tpu.memref_slice %arg6[%dma_wait3A_136, %dma_wait3A_137] : memref<819200x128xf32, #tpu.memory_space<hbm>> -> memref<128x128xf32, #tpu.memory_space<hbm>>
    tpu.wait_dma2 semaphore(%arg12 : memref<!tpu.dma_semaphore, #tpu.memory_space<semaphore_mem>>) src(%dma_wait3A_138 : memref<128x128xf32, #tpu.memory_space<hbm>>) dst(%dma_wait3A_135 : memref<128x128xf32, #tpu.memory_space<vmem>>)
    %dma_start3A_139 = arith.constant 0 : i32
    %dma_start3A_140 = arith.constant 0 : i32
    %dma_start3A_141 = arith.constant 0 : i32
    %dma_start3A_142 = arith.constant 0 : i32
    %dma_start3A_143 = arith.constant 0 : i32
    %dma_start3A_144 = tpu.memref_slice %arg9[%dma_start3A_141, %dma_start3A_142, %dma_start3A_143] : memref<4x128x128xf32, #tpu.memory_space<vmem>> -> memref<1x128x128xf32, #tpu.memory_space<vmem>>
    %dma_start3A_145 = tpu.memref_squeeze %dma_start3A_144 : memref<1x128x128xf32, #tpu.memory_space<vmem>> -> memref<128x128xf32, #tpu.memory_space<vmem>>
    %dma_start3A_146 = arith.constant 0 : i32
    %dma_start3A_147 = arith.constant 0 : i32
    %dma_start3A_148 = tpu.memref_slice %dma_start3A_145[%dma_start3A_146, %dma_start3A_147] : memref<128x128xf32, #tpu.memory_space<vmem>> -> memref<128x128xf32, #tpu.memory_space<vmem>>
    %dma_start3A_149 = arith.constant 0 : i32
    %dma_start3A_150 = tpu.memref_slice %arg8[%dma_start3A_139, %dma_start3A_140, %dma_start3A_149] : memref<4x1x128xi32, #tpu.memory_space<vmem>> -> memref<1x1x128xi32, #tpu.memory_space<vmem>>
    %dma_start3A_151 = tpu.memref_squeeze %dma_start3A_150 : memref<1x1x128xi32, #tpu.memory_space<vmem>> -> memref<128xi32, #tpu.memory_space<vmem>>
    %dma_start3A_152 = arith.constant 0 : i32
    %dma_start3A_153 = arith.constant 0 : i32
    %dma_start3A_154 = tpu.memref_slice %arg10[%dma_start3A_152, %dma_start3A_153] : memref<200x128xf32, #tpu.memory_space<vmem_shared>> -> memref<200x128xf32, #tpu.memory_space<vmem_shared>>
    tpu.enqueue_indirect_dma source(%dma_start3A_154 : memref<200x128xf32, #tpu.memory_space<vmem_shared>>) target(%dma_start3A_148 : memref<128x128xf32, #tpu.memory_space<vmem>>) offsets(%dma_start3A_151 : memref<128xi32, #tpu.memory_space<vmem>>) semaphore(%arg13 : memref<!tpu.dma_semaphore, #tpu.memory_space<semaphore_mem>>) {add = true}
    %dma_wait3A_155 = arith.constant 2 : i32
    %dma_wait3A_156 = arith.constant 0 : i32
    %dma_wait3A_157 = arith.constant 0 : i32
    %dma_wait3A_158 = tpu.memref_slice %arg7[%dma_wait3A_155, %dma_wait3A_156, %dma_wait3A_157] : memref<4x1x128xi32, #tpu.memory_space<vmem>> -> memref<1x1x128xi32, #tpu.memory_space<vmem>>
    %dma_wait3A_159 = tpu.memref_squeeze %dma_wait3A_158 : memref<1x1x128xi32, #tpu.memory_space<vmem>> -> memref<1x128xi32, #tpu.memory_space<vmem>>
    %dma_wait3A_160 = arith.constant 0 : i32
    %dma_wait3A_161 = arith.constant 0 : i32
    %dma_wait3A_162 = tpu.memref_slice %arg2[%dma_wait3A_160, %dma_wait3A_161] : memref<6400x128xi32, #tpu.memory_space<hbm>> -> memref<1x128xi32, #tpu.memory_space<hbm>>
    %dma_wait3A_163 = arith.constant 0 : i32
    %dma_wait3A_164 = arith.constant 0 : i32
    %dma_wait3A_165 = tpu.memref_slice %arg7[%dma_wait3A_155, %dma_wait3A_163, %dma_wait3A_164] : memref<4x1x128xi32, #tpu.memory_space<vmem>> -> memref<1x1x128xi32, #tpu.memory_space<vmem>>
    %dma_wait3A_166 = tpu.memref_squeeze %dma_wait3A_165 : memref<1x1x128xi32, #tpu.memory_space<vmem>> -> memref<1x128xi32, #tpu.memory_space<vmem>>
    %dma_wait3A_167 = arith.constant 0 : i32
    %dma_wait3A_168 = arith.constant 0 : i32
    %dma_wait3A_169 = tpu.memref_slice %arg2[%dma_wait3A_167, %dma_wait3A_168] : memref<6400x128xi32, #tpu.memory_space<hbm>> -> memref<1x128xi32, #tpu.memory_space<hbm>>
    tpu.wait_dma2 semaphore(%arg11 : memref<!tpu.dma_semaphore, #tpu.memory_space<semaphore_mem>>) src(%dma_wait3A_169 : memref<1x128xi32, #tpu.memory_space<hbm>>) dst(%dma_wait3A_166 : memref<1x128xi32, #tpu.memory_space<vmem>>)
    %dma_wait3A_170 = arith.constant 2 : i32
    %dma_wait3A_171 = arith.constant 0 : i32
    %dma_wait3A_172 = arith.constant 0 : i32
    %dma_wait3A_173 = tpu.memref_slice %arg8[%dma_wait3A_170, %dma_wait3A_171, %dma_wait3A_172] : memref<4x1x128xi32, #tpu.memory_space<vmem>> -> memref<1x1x128xi32, #tpu.memory_space<vmem>>
    %dma_wait3A_174 = tpu.memref_squeeze %dma_wait3A_173 : memref<1x1x128xi32, #tpu.memory_space<vmem>> -> memref<1x128xi32, #tpu.memory_space<vmem>>
    %dma_wait3A_175 = arith.constant 0 : i32
    %dma_wait3A_176 = arith.constant 0 : i32
    %dma_wait3A_177 = tpu.memref_slice %arg3[%dma_wait3A_175, %dma_wait3A_176] : memref<6400x128xi32, #tpu.memory_space<hbm>> -> memref<1x128xi32, #tpu.memory_space<hbm>>
    %dma_wait3A_178 = arith.constant 0 : i32
    %dma_wait3A_179 = arith.constant 0 : i32
    %dma_wait3A_180 = tpu.memref_slice %arg8[%dma_wait3A_170, %dma_wait3A_178, %dma_wait3A_179] : memref<4x1x128xi32, #tpu.memory_space<vmem>> -> memref<1x1x128xi32, #tpu.memory_space<vmem>>
    %dma_wait3A_181 = tpu.memref_squeeze %dma_wait3A_180 : memref<1x1x128xi32, #tpu.memory_space<vmem>> -> memref<1x128xi32, #tpu.memory_space<vmem>>
    %dma_wait3A_182 = arith.constant 0 : i32
    %dma_wait3A_183 = arith.constant 0 : i32
    %dma_wait3A_184 = tpu.memref_slice %arg3[%dma_wait3A_182, %dma_wait3A_183] : memref<6400x128xi32, #tpu.memory_space<hbm>> -> memref<1x128xi32, #tpu.memory_space<hbm>>
    tpu.wait_dma2 semaphore(%arg11 : memref<!tpu.dma_semaphore, #tpu.memory_space<semaphore_mem>>) src(%dma_wait3A_184 : memref<1x128xi32, #tpu.memory_space<hbm>>) dst(%dma_wait3A_181 : memref<1x128xi32, #tpu.memory_space<vmem>>)
    %dma_start3A_185 = arith.constant 2 : i32
    %dma_start3A_186 = arith.constant 0 : i32
    %dma_start3A_187 = arith.constant 2 : i32
    %dma_start3A_188 = arith.constant 0 : i32
    %dma_start3A_189 = arith.constant 0 : i32
    %dma_start3A_190 = tpu.memref_slice %arg9[%dma_start3A_187, %dma_start3A_188, %dma_start3A_189] : memref<4x128x128xf32, #tpu.memory_space<vmem>> -> memref<1x128x128xf32, #tpu.memory_space<vmem>>
    %dma_start3A_191 = tpu.memref_squeeze %dma_start3A_190 : memref<1x128x128xf32, #tpu.memory_space<vmem>> -> memref<128x128xf32, #tpu.memory_space<vmem>>
    %dma_start3A_192 = arith.constant 0 : i32
    %dma_start3A_193 = arith.constant 0 : i32
    %dma_start3A_194 = tpu.memref_slice %dma_start3A_191[%dma_start3A_192, %dma_start3A_193] : memref<128x128xf32, #tpu.memory_space<vmem>> -> memref<128x128xf32, #tpu.memory_space<vmem>>
    %dma_start3A_195 = arith.constant 0 : i32
    %dma_start3A_196 = tpu.memref_slice %arg7[%dma_start3A_185, %dma_start3A_186, %dma_start3A_195] : memref<4x1x128xi32, #tpu.memory_space<vmem>> -> memref<1x1x128xi32, #tpu.memory_space<vmem>>
    %dma_start3A_197 = tpu.memref_squeeze %dma_start3A_196 : memref<1x1x128xi32, #tpu.memory_space<vmem>> -> memref<128xi32, #tpu.memory_space<vmem>>
    %dma_start3A_198 = arith.constant 0 : i32
    %dma_start3A_199 = arith.constant 0 : i32
    %dma_start3A_200 = tpu.memref_slice %arg4[%dma_start3A_198, %dma_start3A_199] : memref<1000000x128xf32, #tpu.memory_space<hbm>> -> memref<1000000x128xf32, #tpu.memory_space<hbm>>
    tpu.enqueue_indirect_dma source(%dma_start3A_200 : memref<1000000x128xf32, #tpu.memory_space<hbm>>) target(%dma_start3A_194 : memref<128x128xf32, #tpu.memory_space<vmem>>) offsets(%dma_start3A_197 : memref<128xi32, #tpu.memory_space<vmem>>) semaphore(%arg12 : memref<!tpu.dma_semaphore, #tpu.memory_space<semaphore_mem>>)
    %add3A_201 = arith.constant 3 : i32
    %add3A_202 = arith.addi %mul3A_2, %add3A_201 : i32
    %dma_start3A_203 = arith.constant 3 : i32
    %dma_start3A_204 = arith.constant 0 : i32
    %dma_start3A_205 = arith.constant 0 : i32
    %dma_start3A_206 = tpu.memref_slice %arg7[%dma_start3A_203, %dma_start3A_204, %dma_start3A_205] : memref<4x1x128xi32, #tpu.memory_space<vmem>> -> memref<1x1x128xi32, #tpu.memory_space<vmem>>
    %dma_start3A_207 = tpu.memref_squeeze %dma_start3A_206 : memref<1x1x128xi32, #tpu.memory_space<vmem>> -> memref<1x128xi32, #tpu.memory_space<vmem>>
    %dma_start3A_208 = arith.constant 0 : i32
    %dma_start3A_209 = tpu.memref_slice %arg2[%add3A_202, %dma_start3A_208] : memref<6400x128xi32, #tpu.memory_space<hbm>> -> memref<1x128xi32, #tpu.memory_space<hbm>>
    %dma_start3A_210 = arith.constant 0 : i32
    %dma_start3A_211 = arith.constant 0 : i32
    %dma_start3A_212 = tpu.memref_slice %arg7[%dma_start3A_203, %dma_start3A_210, %dma_start3A_211] : memref<4x1x128xi32, #tpu.memory_space<vmem>> -> memref<1x1x128xi32, #tpu.memory_space<vmem>>
    %dma_start3A_213 = tpu.memref_squeeze %dma_start3A_212 : memref<1x1x128xi32, #tpu.memory_space<vmem>> -> memref<1x128xi32, #tpu.memory_space<vmem>>
    %dma_start3A_214 = arith.constant 0 : i32
    %dma_start3A_215 = tpu.memref_slice %arg2[%add3A_202, %dma_start3A_214] : memref<6400x128xi32, #tpu.memory_space<hbm>> -> memref<1x128xi32, #tpu.memory_space<hbm>>
    tpu.enqueue_dma source(%dma_start3A_215 : memref<1x128xi32, #tpu.memory_space<hbm>>) target(%dma_start3A_213 : memref<1x128xi32, #tpu.memory_space<vmem>>) target_semaphore(%arg11 : memref<!tpu.dma_semaphore, #tpu.memory_space<semaphore_mem>>)
    %dma_start3A_216 = arith.constant 3 : i32
    %dma_start3A_217 = arith.constant 0 : i32
    %dma_start3A_218 = arith.constant 0 : i32
    %dma_start3A_219 = tpu.memref_slice %arg8[%dma_start3A_216, %dma_start3A_217, %dma_start3A_218] : memref<4x1x128xi32, #tpu.memory_space<vmem>> -> memref<1x1x128xi32, #tpu.memory_space<vmem>>
    %dma_start3A_220 = tpu.memref_squeeze %dma_start3A_219 : memref<1x1x128xi32, #tpu.memory_space<vmem>> -> memref<1x128xi32, #tpu.memory_space<vmem>>
    %dma_start3A_221 = arith.constant 0 : i32
    %dma_start3A_222 = tpu.memref_slice %arg3[%add3A_202, %dma_start3A_221] : memref<6400x128xi32, #tpu.memory_space<hbm>> -> memref<1x128xi32, #tpu.memory_space<hbm>>
    %dma_start3A_223 = arith.constant 0 : i32
    %dma_start3A_224 = arith.constant 0 : i32
    %dma_start3A_225 = tpu.memref_slice %arg8[%dma_start3A_216, %dma_start3A_223, %dma_start3A_224] : memref<4x1x128xi32, #tpu.memory_space<vmem>> -> memref<1x1x128xi32, #tpu.memory_space<vmem>>
    %dma_start3A_226 = tpu.memref_squeeze %dma_start3A_225 : memref<1x1x128xi32, #tpu.memory_space<vmem>> -> memref<1x128xi32, #tpu.memory_space<vmem>>
    %dma_start3A_227 = arith.constant 0 : i32
    %dma_start3A_228 = tpu.memref_slice %arg3[%add3A_202, %dma_start3A_227] : memref<6400x128xi32, #tpu.memory_space<hbm>> -> memref<1x128xi32, #tpu.memory_space<hbm>>
    tpu.enqueue_dma source(%dma_start3A_228 : memref<1x128xi32, #tpu.memory_space<hbm>>) target(%dma_start3A_226 : memref<1x128xi32, #tpu.memory_space<vmem>>) target_semaphore(%arg11 : memref<!tpu.dma_semaphore, #tpu.memory_space<semaphore_mem>>)
    %dma_wait3A_229 = arith.constant 1 : i32
    %dma_wait3A_230 = arith.constant 0 : i32
    %dma_wait3A_231 = arith.constant 0 : i32
    %dma_wait3A_232 = tpu.memref_slice %arg9[%dma_wait3A_229, %dma_wait3A_230, %dma_wait3A_231] : memref<4x128x128xf32, #tpu.memory_space<vmem>> -> memref<1x128x128xf32, #tpu.memory_space<vmem>>
    %dma_wait3A_233 = tpu.memref_squeeze %dma_wait3A_232 : memref<1x128x128xf32, #tpu.memory_space<vmem>> -> memref<128x128xf32, #tpu.memory_space<vmem>>
    %dma_wait3A_234 = arith.constant 0 : i32
    %dma_wait3A_235 = arith.constant 0 : i32
    %dma_wait3A_236 = tpu.memref_slice %arg6[%dma_wait3A_234, %dma_wait3A_235] : memref<819200x128xf32, #tpu.memory_space<hbm>> -> memref<128x128xf32, #tpu.memory_space<hbm>>
    %dma_wait3A_237 = arith.constant 0 : i32
    %dma_wait3A_238 = arith.constant 0 : i32
    %dma_wait3A_239 = tpu.memref_slice %arg9[%dma_wait3A_229, %dma_wait3A_237, %dma_wait3A_238] : memref<4x128x128xf32, #tpu.memory_space<vmem>> -> memref<1x128x128xf32, #tpu.memory_space<vmem>>
    %dma_wait3A_240 = tpu.memref_squeeze %dma_wait3A_239 : memref<1x128x128xf32, #tpu.memory_space<vmem>> -> memref<128x128xf32, #tpu.memory_space<vmem>>
    %dma_wait3A_241 = arith.constant 0 : i32
    %dma_wait3A_242 = arith.constant 0 : i32
    %dma_wait3A_243 = tpu.memref_slice %arg6[%dma_wait3A_241, %dma_wait3A_242] : memref<819200x128xf32, #tpu.memory_space<hbm>> -> memref<128x128xf32, #tpu.memory_space<hbm>>
    tpu.wait_dma2 semaphore(%arg12 : memref<!tpu.dma_semaphore, #tpu.memory_space<semaphore_mem>>) src(%dma_wait3A_243 : memref<128x128xf32, #tpu.memory_space<hbm>>) dst(%dma_wait3A_240 : memref<128x128xf32, #tpu.memory_space<vmem>>)
    %dma_start3A_244 = arith.constant 1 : i32
    %dma_start3A_245 = arith.constant 0 : i32
    %dma_start3A_246 = arith.constant 1 : i32
    %dma_start3A_247 = arith.constant 0 : i32
    %dma_start3A_248 = arith.constant 0 : i32
    %dma_start3A_249 = tpu.memref_slice %arg9[%dma_start3A_246, %dma_start3A_247, %dma_start3A_248] : memref<4x128x128xf32, #tpu.memory_space<vmem>> -> memref<1x128x128xf32, #tpu.memory_space<vmem>>
    %dma_start3A_250 = tpu.memref_squeeze %dma_start3A_249 : memref<1x128x128xf32, #tpu.memory_space<vmem>> -> memref<128x128xf32, #tpu.memory_space<vmem>>
    %dma_start3A_251 = arith.constant 0 : i32
    %dma_start3A_252 = arith.constant 0 : i32
    %dma_start3A_253 = tpu.memref_slice %dma_start3A_250[%dma_start3A_251, %dma_start3A_252] : memref<128x128xf32, #tpu.memory_space<vmem>> -> memref<128x128xf32, #tpu.memory_space<vmem>>
    %dma_start3A_254 = arith.constant 0 : i32
    %dma_start3A_255 = tpu.memref_slice %arg8[%dma_start3A_244, %dma_start3A_245, %dma_start3A_254] : memref<4x1x128xi32, #tpu.memory_space<vmem>> -> memref<1x1x128xi32, #tpu.memory_space<vmem>>
    %dma_start3A_256 = tpu.memref_squeeze %dma_start3A_255 : memref<1x1x128xi32, #tpu.memory_space<vmem>> -> memref<128xi32, #tpu.memory_space<vmem>>
    %dma_start3A_257 = arith.constant 0 : i32
    %dma_start3A_258 = arith.constant 0 : i32
    %dma_start3A_259 = tpu.memref_slice %arg10[%dma_start3A_257, %dma_start3A_258] : memref<200x128xf32, #tpu.memory_space<vmem_shared>> -> memref<200x128xf32, #tpu.memory_space<vmem_shared>>
    tpu.enqueue_indirect_dma source(%dma_start3A_259 : memref<200x128xf32, #tpu.memory_space<vmem_shared>>) target(%dma_start3A_253 : memref<128x128xf32, #tpu.memory_space<vmem>>) offsets(%dma_start3A_256 : memref<128xi32, #tpu.memory_space<vmem>>) semaphore(%arg13 : memref<!tpu.dma_semaphore, #tpu.memory_space<semaphore_mem>>) {add = true}
    %dma_wait3A_260 = arith.constant 0 : i32
    %dma_wait3A_261 = arith.constant 0 : i32
    %dma_wait3A_262 = arith.constant 0 : i32
    %dma_wait3A_263 = tpu.memref_slice %arg9[%dma_wait3A_260, %dma_wait3A_261, %dma_wait3A_262] : memref<4x128x128xf32, #tpu.memory_space<vmem>> -> memref<1x128x128xf32, #tpu.memory_space<vmem>>
    %dma_wait3A_264 = tpu.memref_squeeze %dma_wait3A_263 : memref<1x128x128xf32, #tpu.memory_space<vmem>> -> memref<128x128xf32, #tpu.memory_space<vmem>>
    %dma_wait3A_265 = arith.constant 0 : i32
    %dma_wait3A_266 = arith.constant 0 : i32
    %dma_wait3A_267 = tpu.memref_slice %arg6[%dma_wait3A_265, %dma_wait3A_266] : memref<819200x128xf32, #tpu.memory_space<hbm>> -> memref<128x128xf32, #tpu.memory_space<hbm>>
    %dma_wait3A_268 = arith.constant 0 : i32
    %dma_wait3A_269 = arith.constant 0 : i32
    %dma_wait3A_270 = tpu.memref_slice %arg9[%dma_wait3A_260, %dma_wait3A_268, %dma_wait3A_269] : memref<4x128x128xf32, #tpu.memory_space<vmem>> -> memref<1x128x128xf32, #tpu.memory_space<vmem>>
    %dma_wait3A_271 = tpu.memref_squeeze %dma_wait3A_270 : memref<1x128x128xf32, #tpu.memory_space<vmem>> -> memref<128x128xf32, #tpu.memory_space<vmem>>
    %dma_wait3A_272 = arith.constant 0 : i32
    %dma_wait3A_273 = arith.constant 0 : i32
    %dma_wait3A_274 = tpu.memref_slice %arg6[%dma_wait3A_272, %dma_wait3A_273] : memref<819200x128xf32, #tpu.memory_space<hbm>> -> memref<128x128xf32, #tpu.memory_space<hbm>>
    tpu.wait_dma2 semaphore(%arg13 : memref<!tpu.dma_semaphore, #tpu.memory_space<semaphore_mem>>) src(%dma_wait3A_274 : memref<128x128xf32, #tpu.memory_space<hbm>>) dst(%dma_wait3A_271 : memref<128x128xf32, #tpu.memory_space<vmem>>)
    %add3A_275 = arith.constant 0 : i32
    %add3A_276 = arith.addi %mul3A_4, %add3A_275 : i32
    %dma_start3A_277 = arith.constant 0 : i32
    %dma_start3A_278 = arith.constant 0 : i32
    %dma_start3A_279 = arith.constant 0 : i32
    %dma_start3A_280 = tpu.memref_slice %arg9[%dma_start3A_277, %dma_start3A_278, %dma_start3A_279] : memref<4x128x128xf32, #tpu.memory_space<vmem>> -> memref<1x128x128xf32, #tpu.memory_space<vmem>>
    %dma_start3A_281 = tpu.memref_squeeze %dma_start3A_280 : memref<1x128x128xf32, #tpu.memory_space<vmem>> -> memref<128x128xf32, #tpu.memory_space<vmem>>
    %dma_start3A_282 = arith.constant 0 : i32
    %dma_start3A_283 = tpu.memref_slice %arg6[%add3A_276, %dma_start3A_282] : memref<819200x128xf32, #tpu.memory_space<hbm>> -> memref<128x128xf32, #tpu.memory_space<hbm>>
    %dma_start3A_284 = arith.constant 0 : i32
    %dma_start3A_285 = tpu.memref_slice %arg6[%add3A_276, %dma_start3A_284] : memref<819200x128xf32, #tpu.memory_space<hbm>> -> memref<128x128xf32, #tpu.memory_space<hbm>>
    %dma_start3A_286 = arith.constant 0 : i32
    %dma_start3A_287 = arith.constant 0 : i32
    %dma_start3A_288 = tpu.memref_slice %arg9[%dma_start3A_277, %dma_start3A_286, %dma_start3A_287] : memref<4x128x128xf32, #tpu.memory_space<vmem>> -> memref<1x128x128xf32, #tpu.memory_space<vmem>>
    %dma_start3A_289 = tpu.memref_squeeze %dma_start3A_288 : memref<1x128x128xf32, #tpu.memory_space<vmem>> -> memref<128x128xf32, #tpu.memory_space<vmem>>
    tpu.enqueue_dma source(%dma_start3A_289 : memref<128x128xf32, #tpu.memory_space<vmem>>) target(%dma_start3A_285 : memref<128x128xf32, #tpu.memory_space<hbm>>) target_semaphore(%arg14 : memref<!tpu.dma_semaphore, #tpu.memory_space<semaphore_mem>>)
    %dma_wait3A_290 = arith.constant 3 : i32
    %dma_wait3A_291 = arith.constant 0 : i32
    %dma_wait3A_292 = arith.constant 0 : i32
    %dma_wait3A_293 = tpu.memref_slice %arg7[%dma_wait3A_290, %dma_wait3A_291, %dma_wait3A_292] : memref<4x1x128xi32, #tpu.memory_space<vmem>> -> memref<1x1x128xi32, #tpu.memory_space<vmem>>
    %dma_wait3A_294 = tpu.memref_squeeze %dma_wait3A_293 : memref<1x1x128xi32, #tpu.memory_space<vmem>> -> memref<1x128xi32, #tpu.memory_space<vmem>>
    %dma_wait3A_295 = arith.constant 0 : i32
    %dma_wait3A_296 = arith.constant 0 : i32
    %dma_wait3A_297 = tpu.memref_slice %arg2[%dma_wait3A_295, %dma_wait3A_296] : memref<6400x128xi32, #tpu.memory_space<hbm>> -> memref<1x128xi32, #tpu.memory_space<hbm>>
    %dma_wait3A_298 = arith.constant 0 : i32
    %dma_wait3A_299 = arith.constant 0 : i32
    %dma_wait3A_300 = tpu.memref_slice %arg7[%dma_wait3A_290, %dma_wait3A_298, %dma_wait3A_299] : memref<4x1x128xi32, #tpu.memory_space<vmem>> -> memref<1x1x128xi32, #tpu.memory_space<vmem>>
    %dma_wait3A_301 = tpu.memref_squeeze %dma_wait3A_300 : memref<1x1x128xi32, #tpu.memory_space<vmem>> -> memref<1x128xi32, #tpu.memory_space<vmem>>
    %dma_wait3A_302 = arith.constant 0 : i32
    %dma_wait3A_303 = arith.constant 0 : i32
    %dma_wait3A_304 = tpu.memref_slice %arg2[%dma_wait3A_302, %dma_wait3A_303] : memref<6400x128xi32, #tpu.memory_space<hbm>> -> memref<1x128xi32, #tpu.memory_space<hbm>>
    tpu.wait_dma2 semaphore(%arg11 : memref<!tpu.dma_semaphore, #tpu.memory_space<semaphore_mem>>) src(%dma_wait3A_304 : memref<1x128xi32, #tpu.memory_space<hbm>>) dst(%dma_wait3A_301 : memref<1x128xi32, #tpu.memory_space<vmem>>)
    %dma_wait3A_305 = arith.constant 3 : i32
    %dma_wait3A_306 = arith.constant 0 : i32
    %dma_wait3A_307 = arith.constant 0 : i32
    %dma_wait3A_308 = tpu.memref_slice %arg8[%dma_wait3A_305, %dma_wait3A_306, %dma_wait3A_307] : memref<4x1x128xi32, #tpu.memory_space<vmem>> -> memref<1x1x128xi32, #tpu.memory_space<vmem>>
    %dma_wait3A_309 = tpu.memref_squeeze %dma_wait3A_308 : memref<1x1x128xi32, #tpu.memory_space<vmem>> -> memref<1x128xi32, #tpu.memory_space<vmem>>
    %dma_wait3A_310 = arith.constant 0 : i32
    %dma_wait3A_311 = arith.constant 0 : i32
    %dma_wait3A_312 = tpu.memref_slice %arg3[%dma_wait3A_310, %dma_wait3A_311] : memref<6400x128xi32, #tpu.memory_space<hbm>> -> memref<1x128xi32, #tpu.memory_space<hbm>>
    %dma_wait3A_313 = arith.constant 0 : i32
    %dma_wait3A_314 = arith.constant 0 : i32
    %dma_wait3A_315 = tpu.memref_slice %arg8[%dma_wait3A_305, %dma_wait3A_313, %dma_wait3A_314] : memref<4x1x128xi32, #tpu.memory_space<vmem>> -> memref<1x1x128xi32, #tpu.memory_space<vmem>>
    %dma_wait3A_316 = tpu.memref_squeeze %dma_wait3A_315 : memref<1x1x128xi32, #tpu.memory_space<vmem>> -> memref<1x128xi32, #tpu.memory_space<vmem>>
    %dma_wait3A_317 = arith.constant 0 : i32
    %dma_wait3A_318 = arith.constant 0 : i32
    %dma_wait3A_319 = tpu.memref_slice %arg3[%dma_wait3A_317, %dma_wait3A_318] : memref<6400x128xi32, #tpu.memory_space<hbm>> -> memref<1x128xi32, #tpu.memory_space<hbm>>
    tpu.wait_dma2 semaphore(%arg11 : memref<!tpu.dma_semaphore, #tpu.memory_space<semaphore_mem>>) src(%dma_wait3A_319 : memref<1x128xi32, #tpu.memory_space<hbm>>) dst(%dma_wait3A_316 : memref<1x128xi32, #tpu.memory_space<vmem>>)
    %dma_start3A_320 = arith.constant 3 : i32
    %dma_start3A_321 = arith.constant 0 : i32
    %dma_start3A_322 = arith.constant 3 : i32
    %dma_start3A_323 = arith.constant 0 : i32
    %dma_start3A_324 = arith.constant 0 : i32
    %dma_start3A_325 = tpu.memref_slice %arg9[%dma_start3A_322, %dma_start3A_323, %dma_start3A_324] : memref<4x128x128xf32, #tpu.memory_space<vmem>> -> memref<1x128x128xf32, #tpu.memory_space<vmem>>
    %dma_start3A_326 = tpu.memref_squeeze %dma_start3A_325 : memref<1x128x128xf32, #tpu.memory_space<vmem>> -> memref<128x128xf32, #tpu.memory_space<vmem>>
    %dma_start3A_327 = arith.constant 0 : i32
    %dma_start3A_328 = arith.constant 0 : i32
    %dma_start3A_329 = tpu.memref_slice %dma_start3A_326[%dma_start3A_327, %dma_start3A_328] : memref<128x128xf32, #tpu.memory_space<vmem>> -> memref<128x128xf32, #tpu.memory_space<vmem>>
    %dma_start3A_330 = arith.constant 0 : i32
    %dma_start3A_331 = tpu.memref_slice %arg7[%dma_start3A_320, %dma_start3A_321, %dma_start3A_330] : memref<4x1x128xi32, #tpu.memory_space<vmem>> -> memref<1x1x128xi32, #tpu.memory_space<vmem>>
    %dma_start3A_332 = tpu.memref_squeeze %dma_start3A_331 : memref<1x1x128xi32, #tpu.memory_space<vmem>> -> memref<128xi32, #tpu.memory_space<vmem>>
    %dma_start3A_333 = arith.constant 0 : i32
    %dma_start3A_334 = arith.constant 0 : i32
    %dma_start3A_335 = tpu.memref_slice %arg4[%dma_start3A_333, %dma_start3A_334] : memref<1000000x128xf32, #tpu.memory_space<hbm>> -> memref<1000000x128xf32, #tpu.memory_space<hbm>>
    tpu.enqueue_indirect_dma source(%dma_start3A_335 : memref<1000000x128xf32, #tpu.memory_space<hbm>>) target(%dma_start3A_329 : memref<128x128xf32, #tpu.memory_space<vmem>>) offsets(%dma_start3A_332 : memref<128xi32, #tpu.memory_space<vmem>>) semaphore(%arg12 : memref<!tpu.dma_semaphore, #tpu.memory_space<semaphore_mem>>)
    %add3A_336 = arith.constant 4 : i32
    %add3A_337 = arith.addi %mul3A_2, %add3A_336 : i32
    %dma_start3A_338 = arith.constant 0 : i32
    %dma_start3A_339 = arith.constant 0 : i32
    %dma_start3A_340 = arith.constant 0 : i32
    %dma_start3A_341 = tpu.memref_slice %arg7[%dma_start3A_338, %dma_start3A_339, %dma_start3A_340] : memref<4x1x128xi32, #tpu.memory_space<vmem>> -> memref<1x1x128xi32, #tpu.memory_space<vmem>>
    %dma_start3A_342 = tpu.memref_squeeze %dma_start3A_341 : memref<1x1x128xi32, #tpu.memory_space<vmem>> -> memref<1x128xi32, #tpu.memory_space<vmem>>
    %dma_start3A_343 = arith.constant 0 : i32
    %dma_start3A_344 = tpu.memref_slice %arg2[%add3A_337, %dma_start3A_343] : memref<6400x128xi32, #tpu.memory_space<hbm>> -> memref<1x128xi32, #tpu.memory_space<hbm>>
    %dma_start3A_345 = arith.constant 0 : i32
    %dma_start3A_346 = arith.constant 0 : i32
    %dma_start3A_347 = tpu.memref_slice %arg7[%dma_start3A_338, %dma_start3A_345, %dma_start3A_346] : memref<4x1x128xi32, #tpu.memory_space<vmem>> -> memref<1x1x128xi32, #tpu.memory_space<vmem>>
    %dma_start3A_348 = tpu.memref_squeeze %dma_start3A_347 : memref<1x1x128xi32, #tpu.memory_space<vmem>> -> memref<1x128xi32, #tpu.memory_space<vmem>>
    %dma_start3A_349 = arith.constant 0 : i32
    %dma_start3A_350 = tpu.memref_slice %arg2[%add3A_337, %dma_start3A_349] : memref<6400x128xi32, #tpu.memory_space<hbm>> -> memref<1x128xi32, #tpu.memory_space<hbm>>
    tpu.enqueue_dma source(%dma_start3A_350 : memref<1x128xi32, #tpu.memory_space<hbm>>) target(%dma_start3A_348 : memref<1x128xi32, #tpu.memory_space<vmem>>) target_semaphore(%arg11 : memref<!tpu.dma_semaphore, #tpu.memory_space<semaphore_mem>>)
    %dma_start3A_351 = arith.constant 0 : i32
    %dma_start3A_352 = arith.constant 0 : i32
    %dma_start3A_353 = arith.constant 0 : i32
    %dma_start3A_354 = tpu.memref_slice %arg8[%dma_start3A_351, %dma_start3A_352, %dma_start3A_353] : memref<4x1x128xi32, #tpu.memory_space<vmem>> -> memref<1x1x128xi32, #tpu.memory_space<vmem>>
    %dma_start3A_355 = tpu.memref_squeeze %dma_start3A_354 : memref<1x1x128xi32, #tpu.memory_space<vmem>> -> memref<1x128xi32, #tpu.memory_space<vmem>>
    %dma_start3A_356 = arith.constant 0 : i32
    %dma_start3A_357 = tpu.memref_slice %arg3[%add3A_337, %dma_start3A_356] : memref<6400x128xi32, #tpu.memory_space<hbm>> -> memref<1x128xi32, #tpu.memory_space<hbm>>
    %dma_start3A_358 = arith.constant 0 : i32
    %dma_start3A_359 = arith.constant 0 : i32
    %dma_start3A_360 = tpu.memref_slice %arg8[%dma_start3A_351, %dma_start3A_358, %dma_start3A_359] : memref<4x1x128xi32, #tpu.memory_space<vmem>> -> memref<1x1x128xi32, #tpu.memory_space<vmem>>
    %dma_start3A_361 = tpu.memref_squeeze %dma_start3A_360 : memref<1x1x128xi32, #tpu.memory_space<vmem>> -> memref<1x128xi32, #tpu.memory_space<vmem>>
    %dma_start3A_362 = arith.constant 0 : i32
    %dma_start3A_363 = tpu.memref_slice %arg3[%add3A_337, %dma_start3A_362] : memref<6400x128xi32, #tpu.memory_space<hbm>> -> memref<1x128xi32, #tpu.memory_space<hbm>>
    tpu.enqueue_dma source(%dma_start3A_363 : memref<1x128xi32, #tpu.memory_space<hbm>>) target(%dma_start3A_361 : memref<1x128xi32, #tpu.memory_space<vmem>>) target_semaphore(%arg11 : memref<!tpu.dma_semaphore, #tpu.memory_space<semaphore_mem>>)
    %dma_wait3A_364 = arith.constant 2 : i32
    %dma_wait3A_365 = arith.constant 0 : i32
    %dma_wait3A_366 = arith.constant 0 : i32
    %dma_wait3A_367 = tpu.memref_slice %arg9[%dma_wait3A_364, %dma_wait3A_365, %dma_wait3A_366] : memref<4x128x128xf32, #tpu.memory_space<vmem>> -> memref<1x128x128xf32, #tpu.memory_space<vmem>>
    %dma_wait3A_368 = tpu.memref_squeeze %dma_wait3A_367 : memref<1x128x128xf32, #tpu.memory_space<vmem>> -> memref<128x128xf32, #tpu.memory_space<vmem>>
    %dma_wait3A_369 = arith.constant 0 : i32
    %dma_wait3A_370 = arith.constant 0 : i32
    %dma_wait3A_371 = tpu.memref_slice %arg6[%dma_wait3A_369, %dma_wait3A_370] : memref<819200x128xf32, #tpu.memory_space<hbm>> -> memref<128x128xf32, #tpu.memory_space<hbm>>
    %dma_wait3A_372 = arith.constant 0 : i32
    %dma_wait3A_373 = arith.constant 0 : i32
    %dma_wait3A_374 = tpu.memref_slice %arg9[%dma_wait3A_364, %dma_wait3A_372, %dma_wait3A_373] : memref<4x128x128xf32, #tpu.memory_space<vmem>> -> memref<1x128x128xf32, #tpu.memory_space<vmem>>
    %dma_wait3A_375 = tpu.memref_squeeze %dma_wait3A_374 : memref<1x128x128xf32, #tpu.memory_space<vmem>> -> memref<128x128xf32, #tpu.memory_space<vmem>>
    %dma_wait3A_376 = arith.constant 0 : i32
    %dma_wait3A_377 = arith.constant 0 : i32
    %dma_wait3A_378 = tpu.memref_slice %arg6[%dma_wait3A_376, %dma_wait3A_377] : memref<819200x128xf32, #tpu.memory_space<hbm>> -> memref<128x128xf32, #tpu.memory_space<hbm>>
    tpu.wait_dma2 semaphore(%arg12 : memref<!tpu.dma_semaphore, #tpu.memory_space<semaphore_mem>>) src(%dma_wait3A_378 : memref<128x128xf32, #tpu.memory_space<hbm>>) dst(%dma_wait3A_375 : memref<128x128xf32, #tpu.memory_space<vmem>>)
    %dma_start3A_379 = arith.constant 2 : i32
    %dma_start3A_380 = arith.constant 0 : i32
    %dma_start3A_381 = arith.constant 2 : i32
    %dma_start3A_382 = arith.constant 0 : i32
    %dma_start3A_383 = arith.constant 0 : i32
    %dma_start3A_384 = tpu.memref_slice %arg9[%dma_start3A_381, %dma_start3A_382, %dma_start3A_383] : memref<4x128x128xf32, #tpu.memory_space<vmem>> -> memref<1x128x128xf32, #tpu.memory_space<vmem>>
    %dma_start3A_385 = tpu.memref_squeeze %dma_start3A_384 : memref<1x128x128xf32, #tpu.memory_space<vmem>> -> memref<128x128xf32, #tpu.memory_space<vmem>>
    %dma_start3A_386 = arith.constant 0 : i32
    %dma_start3A_387 = arith.constant 0 : i32
    %dma_start3A_388 = tpu.memref_slice %dma_start3A_385[%dma_start3A_386, %dma_start3A_387] : memref<128x128xf32, #tpu.memory_space<vmem>> -> memref<128x128xf32, #tpu.memory_space<vmem>>
    %dma_start3A_389 = arith.constant 0 : i32
    %dma_start3A_390 = tpu.memref_slice %arg8[%dma_start3A_379, %dma_start3A_380, %dma_start3A_389] : memref<4x1x128xi32, #tpu.memory_space<vmem>> -> memref<1x1x128xi32, #tpu.memory_space<vmem>>
    %dma_start3A_391 = tpu.memref_squeeze %dma_start3A_390 : memref<1x1x128xi32, #tpu.memory_space<vmem>> -> memref<128xi32, #tpu.memory_space<vmem>>
    %dma_start3A_392 = arith.constant 0 : i32
    %dma_start3A_393 = arith.constant 0 : i32
    %dma_start3A_394 = tpu.memref_slice %arg10[%dma_start3A_392, %dma_start3A_393] : memref<200x128xf32, #tpu.memory_space<vmem_shared>> -> memref<200x128xf32, #tpu.memory_space<vmem_shared>>
    tpu.enqueue_indirect_dma source(%dma_start3A_394 : memref<200x128xf32, #tpu.memory_space<vmem_shared>>) target(%dma_start3A_388 : memref<128x128xf32, #tpu.memory_space<vmem>>) offsets(%dma_start3A_391 : memref<128xi32, #tpu.memory_space<vmem>>) semaphore(%arg13 : memref<!tpu.dma_semaphore, #tpu.memory_space<semaphore_mem>>) {add = true}
    %dma_wait3A_395 = arith.constant 1 : i32
    %dma_wait3A_396 = arith.constant 0 : i32
    %dma_wait3A_397 = arith.constant 0 : i32
    %dma_wait3A_398 = tpu.memref_slice %arg9[%dma_wait3A_395, %dma_wait3A_396, %dma_wait3A_397] : memref<4x128x128xf32, #tpu.memory_space<vmem>> -> memref<1x128x128xf32, #tpu.memory_space<vmem>>
    %dma_wait3A_399 = tpu.memref_squeeze %dma_wait3A_398 : memref<1x128x128xf32, #tpu.memory_space<vmem>> -> memref<128x128xf32, #tpu.memory_space<vmem>>
    %dma_wait3A_400 = arith.constant 0 : i32
    %dma_wait3A_401 = arith.constant 0 : i32
    %dma_wait3A_402 = tpu.memref_slice %arg6[%dma_wait3A_400, %dma_wait3A_401] : memref<819200x128xf32, #tpu.memory_space<hbm>> -> memref<128x128xf32, #tpu.memory_space<hbm>>
    %dma_wait3A_403 = arith.constant 0 : i32
    %dma_wait3A_404 = arith.constant 0 : i32
    %dma_wait3A_405 = tpu.memref_slice %arg9[%dma_wait3A_395, %dma_wait3A_403, %dma_wait3A_404] : memref<4x128x128xf32, #tpu.memory_space<vmem>> -> memref<1x128x128xf32, #tpu.memory_space<vmem>>
    %dma_wait3A_406 = tpu.memref_squeeze %dma_wait3A_405 : memref<1x128x128xf32, #tpu.memory_space<vmem>> -> memref<128x128xf32, #tpu.memory_space<vmem>>
    %dma_wait3A_407 = arith.constant 0 : i32
    %dma_wait3A_408 = arith.constant 0 : i32
    %dma_wait3A_409 = tpu.memref_slice %arg6[%dma_wait3A_407, %dma_wait3A_408] : memref<819200x128xf32, #tpu.memory_space<hbm>> -> memref<128x128xf32, #tpu.memory_space<hbm>>
    tpu.wait_dma2 semaphore(%arg13 : memref<!tpu.dma_semaphore, #tpu.memory_space<semaphore_mem>>) src(%dma_wait3A_409 : memref<128x128xf32, #tpu.memory_space<hbm>>) dst(%dma_wait3A_406 : memref<128x128xf32, #tpu.memory_space<vmem>>)
    %add3A_410 = arith.constant 128 : i32
    %add3A_411 = arith.addi %mul3A_4, %add3A_410 : i32
    %dma_start3A_412 = arith.constant 1 : i32
    %dma_start3A_413 = arith.constant 0 : i32
    %dma_start3A_414 = arith.constant 0 : i32
    %dma_start3A_415 = tpu.memref_slice %arg9[%dma_start3A_412, %dma_start3A_413, %dma_start3A_414] : memref<4x128x128xf32, #tpu.memory_space<vmem>> -> memref<1x128x128xf32, #tpu.memory_space<vmem>>
    %dma_start3A_416 = tpu.memref_squeeze %dma_start3A_415 : memref<1x128x128xf32, #tpu.memory_space<vmem>> -> memref<128x128xf32, #tpu.memory_space<vmem>>
    %dma_start3A_417 = arith.constant 0 : i32
    %dma_start3A_418 = tpu.memref_slice %arg6[%add3A_411, %dma_start3A_417] : memref<819200x128xf32, #tpu.memory_space<hbm>> -> memref<128x128xf32, #tpu.memory_space<hbm>>
    %dma_start3A_419 = arith.constant 0 : i32
    %dma_start3A_420 = tpu.memref_slice %arg6[%add3A_411, %dma_start3A_419] : memref<819200x128xf32, #tpu.memory_space<hbm>> -> memref<128x128xf32, #tpu.memory_space<hbm>>
    %dma_start3A_421 = arith.constant 0 : i32
    %dma_start3A_422 = arith.constant 0 : i32
    %dma_start3A_423 = tpu.memref_slice %arg9[%dma_start3A_412, %dma_start3A_421, %dma_start3A_422] : memref<4x128x128xf32, #tpu.memory_space<vmem>> -> memref<1x128x128xf32, #tpu.memory_space<vmem>>
    %dma_start3A_424 = tpu.memref_squeeze %dma_start3A_423 : memref<1x128x128xf32, #tpu.memory_space<vmem>> -> memref<128x128xf32, #tpu.memory_space<vmem>>
    tpu.enqueue_dma source(%dma_start3A_424 : memref<128x128xf32, #tpu.memory_space<vmem>>) target(%dma_start3A_420 : memref<128x128xf32, #tpu.memory_space<hbm>>) target_semaphore(%arg14 : memref<!tpu.dma_semaphore, #tpu.memory_space<semaphore_mem>>)
    %scan3A = arith.constant 0 : i32
    %scan3A_425 = arith.constant 1 : i32
    %scan3A_426 = arith.constant 49 : i32
    %scan3A_427 = arith.addi %scan3A_425, %scan3A_426 : i32
    %scan3A_428 = arith.constant 1 : i32
    scf.for %scan3A_581 = %scan3A_425 to %scan3A_427 step %scan3A_428  : i32 {
      %mul3A_582 = arith.constant 4 : i32
      %mul3A_583 = arith.muli %scan3A_581, %mul3A_582 : i32
      %add3A_584 = arith.constant 0 : i32
      %add3A_585 = arith.addi %mul3A_583, %add3A_584 : i32
      %dma_wait3A_586 = arith.constant 0 : i32
      %dma_wait3A_587 = arith.constant 0 : i32
      %dma_wait3A_588 = arith.constant 0 : i32
      %dma_wait3A_589 = tpu.memref_slice %arg9[%dma_wait3A_586, %dma_wait3A_587, %dma_wait3A_588] : memref<4x128x128xf32, #tpu.memory_space<vmem>> -> memref<1x128x128xf32, #tpu.memory_space<vmem>>
      %dma_wait3A_590 = tpu.memref_squeeze %dma_wait3A_589 : memref<1x128x128xf32, #tpu.memory_space<vmem>> -> memref<128x128xf32, #tpu.memory_space<vmem>>
      %dma_wait3A_591 = arith.constant 0 : i32
      %dma_wait3A_592 = arith.constant 0 : i32
      %dma_wait3A_593 = tpu.memref_slice %arg6[%dma_wait3A_591, %dma_wait3A_592] : memref<819200x128xf32, #tpu.memory_space<hbm>> -> memref<128x128xf32, #tpu.memory_space<hbm>>
      %dma_wait3A_594 = arith.constant 0 : i32
      %dma_wait3A_595 = arith.constant 0 : i32
      %dma_wait3A_596 = tpu.memref_slice %arg6[%dma_wait3A_594, %dma_wait3A_595] : memref<819200x128xf32, #tpu.memory_space<hbm>> -> memref<128x128xf32, #tpu.memory_space<hbm>>
      %dma_wait3A_597 = arith.constant 0 : i32
      %dma_wait3A_598 = arith.constant 0 : i32
      %dma_wait3A_599 = tpu.memref_slice %arg9[%dma_wait3A_586, %dma_wait3A_597, %dma_wait3A_598] : memref<4x128x128xf32, #tpu.memory_space<vmem>> -> memref<1x128x128xf32, #tpu.memory_space<vmem>>
      %dma_wait3A_600 = tpu.memref_squeeze %dma_wait3A_599 : memref<1x128x128xf32, #tpu.memory_space<vmem>> -> memref<128x128xf32, #tpu.memory_space<vmem>>
      tpu.wait_dma2 semaphore(%arg14 : memref<!tpu.dma_semaphore, #tpu.memory_space<semaphore_mem>>) src(%dma_wait3A_600 : memref<128x128xf32, #tpu.memory_space<vmem>>) dst(%dma_wait3A_596 : memref<128x128xf32, #tpu.memory_space<hbm>>)
      %dma_wait3A_601 = arith.constant 0 : i32
      %dma_wait3A_602 = arith.constant 0 : i32
      %dma_wait3A_603 = arith.constant 0 : i32
      %dma_wait3A_604 = tpu.memref_slice %arg7[%dma_wait3A_601, %dma_wait3A_602, %dma_wait3A_603] : memref<4x1x128xi32, #tpu.memory_space<vmem>> -> memref<1x1x128xi32, #tpu.memory_space<vmem>>
      %dma_wait3A_605 = tpu.memref_squeeze %dma_wait3A_604 : memref<1x1x128xi32, #tpu.memory_space<vmem>> -> memref<1x128xi32, #tpu.memory_space<vmem>>
      %dma_wait3A_606 = arith.constant 0 : i32
      %dma_wait3A_607 = arith.constant 0 : i32
      %dma_wait3A_608 = tpu.memref_slice %arg2[%dma_wait3A_606, %dma_wait3A_607] : memref<6400x128xi32, #tpu.memory_space<hbm>> -> memref<1x128xi32, #tpu.memory_space<hbm>>
      %dma_wait3A_609 = arith.constant 0 : i32
      %dma_wait3A_610 = arith.constant 0 : i32
      %dma_wait3A_611 = tpu.memref_slice %arg7[%dma_wait3A_601, %dma_wait3A_609, %dma_wait3A_610] : memref<4x1x128xi32, #tpu.memory_space<vmem>> -> memref<1x1x128xi32, #tpu.memory_space<vmem>>
      %dma_wait3A_612 = tpu.memref_squeeze %dma_wait3A_611 : memref<1x1x128xi32, #tpu.memory_space<vmem>> -> memref<1x128xi32, #tpu.memory_space<vmem>>
      %dma_wait3A_613 = arith.constant 0 : i32
      %dma_wait3A_614 = arith.constant 0 : i32
      %dma_wait3A_615 = tpu.memref_slice %arg2[%dma_wait3A_613, %dma_wait3A_614] : memref<6400x128xi32, #tpu.memory_space<hbm>> -> memref<1x128xi32, #tpu.memory_space<hbm>>
      tpu.wait_dma2 semaphore(%arg11 : memref<!tpu.dma_semaphore, #tpu.memory_space<semaphore_mem>>) src(%dma_wait3A_615 : memref<1x128xi32, #tpu.memory_space<hbm>>) dst(%dma_wait3A_612 : memref<1x128xi32, #tpu.memory_space<vmem>>)
      %dma_wait3A_616 = arith.constant 0 : i32
      %dma_wait3A_617 = arith.constant 0 : i32
      %dma_wait3A_618 = arith.constant 0 : i32
      %dma_wait3A_619 = tpu.memref_slice %arg8[%dma_wait3A_616, %dma_wait3A_617, %dma_wait3A_618] : memref<4x1x128xi32, #tpu.memory_space<vmem>> -> memref<1x1x128xi32, #tpu.memory_space<vmem>>
      %dma_wait3A_620 = tpu.memref_squeeze %dma_wait3A_619 : memref<1x1x128xi32, #tpu.memory_space<vmem>> -> memref<1x128xi32, #tpu.memory_space<vmem>>
      %dma_wait3A_621 = arith.constant 0 : i32
      %dma_wait3A_622 = arith.constant 0 : i32
      %dma_wait3A_623 = tpu.memref_slice %arg3[%dma_wait3A_621, %dma_wait3A_622] : memref<6400x128xi32, #tpu.memory_space<hbm>> -> memref<1x128xi32, #tpu.memory_space<hbm>>
      %dma_wait3A_624 = arith.constant 0 : i32
      %dma_wait3A_625 = arith.constant 0 : i32
      %dma_wait3A_626 = tpu.memref_slice %arg8[%dma_wait3A_616, %dma_wait3A_624, %dma_wait3A_625] : memref<4x1x128xi32, #tpu.memory_space<vmem>> -> memref<1x1x128xi32, #tpu.memory_space<vmem>>
      %dma_wait3A_627 = tpu.memref_squeeze %dma_wait3A_626 : memref<1x1x128xi32, #tpu.memory_space<vmem>> -> memref<1x128xi32, #tpu.memory_space<vmem>>
      %dma_wait3A_628 = arith.constant 0 : i32
      %dma_wait3A_629 = arith.constant 0 : i32
      %dma_wait3A_630 = tpu.memref_slice %arg3[%dma_wait3A_628, %dma_wait3A_629] : memref<6400x128xi32, #tpu.memory_space<hbm>> -> memref<1x128xi32, #tpu.memory_space<hbm>>
      tpu.wait_dma2 semaphore(%arg11 : memref<!tpu.dma_semaphore, #tpu.memory_space<semaphore_mem>>) src(%dma_wait3A_630 : memref<1x128xi32, #tpu.memory_space<hbm>>) dst(%dma_wait3A_627 : memref<1x128xi32, #tpu.memory_space<vmem>>)
      %dma_start3A_631 = arith.constant 0 : i32
      %dma_start3A_632 = arith.constant 0 : i32
      %dma_start3A_633 = arith.constant 0 : i32
      %dma_start3A_634 = arith.constant 0 : i32
      %dma_start3A_635 = arith.constant 0 : i32
      %dma_start3A_636 = tpu.memref_slice %arg9[%dma_start3A_633, %dma_start3A_634, %dma_start3A_635] : memref<4x128x128xf32, #tpu.memory_space<vmem>> -> memref<1x128x128xf32, #tpu.memory_space<vmem>>
      %dma_start3A_637 = tpu.memref_squeeze %dma_start3A_636 : memref<1x128x128xf32, #tpu.memory_space<vmem>> -> memref<128x128xf32, #tpu.memory_space<vmem>>
      %dma_start3A_638 = arith.constant 0 : i32
      %dma_start3A_639 = arith.constant 0 : i32
      %dma_start3A_640 = tpu.memref_slice %dma_start3A_637[%dma_start3A_638, %dma_start3A_639] : memref<128x128xf32, #tpu.memory_space<vmem>> -> memref<128x128xf32, #tpu.memory_space<vmem>>
      %dma_start3A_641 = arith.constant 0 : i32
      %dma_start3A_642 = tpu.memref_slice %arg7[%dma_start3A_631, %dma_start3A_632, %dma_start3A_641] : memref<4x1x128xi32, #tpu.memory_space<vmem>> -> memref<1x1x128xi32, #tpu.memory_space<vmem>>
      %dma_start3A_643 = tpu.memref_squeeze %dma_start3A_642 : memref<1x1x128xi32, #tpu.memory_space<vmem>> -> memref<128xi32, #tpu.memory_space<vmem>>
      %dma_start3A_644 = arith.constant 0 : i32
      %dma_start3A_645 = arith.constant 0 : i32
      %dma_start3A_646 = tpu.memref_slice %arg4[%dma_start3A_644, %dma_start3A_645] : memref<1000000x128xf32, #tpu.memory_space<hbm>> -> memref<1000000x128xf32, #tpu.memory_space<hbm>>
      tpu.enqueue_indirect_dma source(%dma_start3A_646 : memref<1000000x128xf32, #tpu.memory_space<hbm>>) target(%dma_start3A_640 : memref<128x128xf32, #tpu.memory_space<vmem>>) offsets(%dma_start3A_643 : memref<128xi32, #tpu.memory_space<vmem>>) semaphore(%arg12 : memref<!tpu.dma_semaphore, #tpu.memory_space<semaphore_mem>>)
      %lt3A = arith.constant 199 : i32
      %lt3A_647 = arith.cmpi slt, %add3A_585, %lt3A : i32
      %convert_element_type3A_648 = arith.extui %lt3A_647 : i1 to i32
      %cond3A_649 = arith.constant 0 : i32
      %cond3A_650 = arith.cmpi ne, %convert_element_type3A_648, %cond3A_649 : i32
      scf.if %cond3A_650 {
        %add3A_1116 = arith.constant 1 : i32
        %add3A_1117 = arith.addi %add3A_585, %add3A_1116 : i32
        %mul3A_1118 = arith.constant 1 : i32
        %mul3A_1119 = arith.muli %add3A_1117, %mul3A_1118 : i32
        %add3A_1120 = arith.addi %mul3A_2, %mul3A_1119 : i32
        %dma_start3A_1121 = arith.constant 1 : i32
        %dma_start3A_1122 = arith.constant 0 : i32
        %dma_start3A_1123 = arith.constant 0 : i32
        %dma_start3A_1124 = tpu.memref_slice %arg7[%dma_start3A_1121, %dma_start3A_1122, %dma_start3A_1123] : memref<4x1x128xi32, #tpu.memory_space<vmem>> -> memref<1x1x128xi32, #tpu.memory_space<vmem>>
        %dma_start3A_1125 = tpu.memref_squeeze %dma_start3A_1124 : memref<1x1x128xi32, #tpu.memory_space<vmem>> -> memref<1x128xi32, #tpu.memory_space<vmem>>
        %dma_start3A_1126 = arith.constant 0 : i32
        %dma_start3A_1127 = tpu.memref_slice %arg2[%add3A_1120, %dma_start3A_1126] : memref<6400x128xi32, #tpu.memory_space<hbm>> -> memref<1x128xi32, #tpu.memory_space<hbm>>
        %dma_start3A_1128 = arith.constant 0 : i32
        %dma_start3A_1129 = arith.constant 0 : i32
        %dma_start3A_1130 = tpu.memref_slice %arg7[%dma_start3A_1121, %dma_start3A_1128, %dma_start3A_1129] : memref<4x1x128xi32, #tpu.memory_space<vmem>> -> memref<1x1x128xi32, #tpu.memory_space<vmem>>
        %dma_start3A_1131 = tpu.memref_squeeze %dma_start3A_1130 : memref<1x1x128xi32, #tpu.memory_space<vmem>> -> memref<1x128xi32, #tpu.memory_space<vmem>>
        %dma_start3A_1132 = arith.constant 0 : i32
        %dma_start3A_1133 = tpu.memref_slice %arg2[%add3A_1120, %dma_start3A_1132] : memref<6400x128xi32, #tpu.memory_space<hbm>> -> memref<1x128xi32, #tpu.memory_space<hbm>>
        tpu.enqueue_dma source(%dma_start3A_1133 : memref<1x128xi32, #tpu.memory_space<hbm>>) target(%dma_start3A_1131 : memref<1x128xi32, #tpu.memory_space<vmem>>) target_semaphore(%arg11 : memref<!tpu.dma_semaphore, #tpu.memory_space<semaphore_mem>>)
        %dma_start3A_1134 = arith.constant 1 : i32
        %dma_start3A_1135 = arith.constant 0 : i32
        %dma_start3A_1136 = arith.constant 0 : i32
        %dma_start3A_1137 = tpu.memref_slice %arg8[%dma_start3A_1134, %dma_start3A_1135, %dma_start3A_1136] : memref<4x1x128xi32, #tpu.memory_space<vmem>> -> memref<1x1x128xi32, #tpu.memory_space<vmem>>
        %dma_start3A_1138 = tpu.memref_squeeze %dma_start3A_1137 : memref<1x1x128xi32, #tpu.memory_space<vmem>> -> memref<1x128xi32, #tpu.memory_space<vmem>>
        %dma_start3A_1139 = arith.constant 0 : i32
        %dma_start3A_1140 = tpu.memref_slice %arg3[%add3A_1120, %dma_start3A_1139] : memref<6400x128xi32, #tpu.memory_space<hbm>> -> memref<1x128xi32, #tpu.memory_space<hbm>>
        %dma_start3A_1141 = arith.constant 0 : i32
        %dma_start3A_1142 = arith.constant 0 : i32
        %dma_start3A_1143 = tpu.memref_slice %arg8[%dma_start3A_1134, %dma_start3A_1141, %dma_start3A_1142] : memref<4x1x128xi32, #tpu.memory_space<vmem>> -> memref<1x1x128xi32, #tpu.memory_space<vmem>>
        %dma_start3A_1144 = tpu.memref_squeeze %dma_start3A_1143 : memref<1x1x128xi32, #tpu.memory_space<vmem>> -> memref<1x128xi32, #tpu.memory_space<vmem>>
        %dma_start3A_1145 = arith.constant 0 : i32
        %dma_start3A_1146 = tpu.memref_slice %arg3[%add3A_1120, %dma_start3A_1145] : memref<6400x128xi32, #tpu.memory_space<hbm>> -> memref<1x128xi32, #tpu.memory_space<hbm>>
        tpu.enqueue_dma source(%dma_start3A_1146 : memref<1x128xi32, #tpu.memory_space<hbm>>) target(%dma_start3A_1144 : memref<1x128xi32, #tpu.memory_space<vmem>>) target_semaphore(%arg11 : memref<!tpu.dma_semaphore, #tpu.memory_space<semaphore_mem>>)
      } else {
      }
      %dma_wait3A_651 = arith.constant 3 : i32
      %dma_wait3A_652 = arith.constant 0 : i32
      %dma_wait3A_653 = arith.constant 0 : i32
      %dma_wait3A_654 = tpu.memref_slice %arg9[%dma_wait3A_651, %dma_wait3A_652, %dma_wait3A_653] : memref<4x128x128xf32, #tpu.memory_space<vmem>> -> memref<1x128x128xf32, #tpu.memory_space<vmem>>
      %dma_wait3A_655 = tpu.memref_squeeze %dma_wait3A_654 : memref<1x128x128xf32, #tpu.memory_space<vmem>> -> memref<128x128xf32, #tpu.memory_space<vmem>>
      %dma_wait3A_656 = arith.constant 0 : i32
      %dma_wait3A_657 = arith.constant 0 : i32
      %dma_wait3A_658 = tpu.memref_slice %arg6[%dma_wait3A_656, %dma_wait3A_657] : memref<819200x128xf32, #tpu.memory_space<hbm>> -> memref<128x128xf32, #tpu.memory_space<hbm>>
      %dma_wait3A_659 = arith.constant 0 : i32
      %dma_wait3A_660 = arith.constant 0 : i32
      %dma_wait3A_661 = tpu.memref_slice %arg9[%dma_wait3A_651, %dma_wait3A_659, %dma_wait3A_660] : memref<4x128x128xf32, #tpu.memory_space<vmem>> -> memref<1x128x128xf32, #tpu.memory_space<vmem>>
      %dma_wait3A_662 = tpu.memref_squeeze %dma_wait3A_661 : memref<1x128x128xf32, #tpu.memory_space<vmem>> -> memref<128x128xf32, #tpu.memory_space<vmem>>
      %dma_wait3A_663 = arith.constant 0 : i32
      %dma_wait3A_664 = arith.constant 0 : i32
      %dma_wait3A_665 = tpu.memref_slice %arg6[%dma_wait3A_663, %dma_wait3A_664] : memref<819200x128xf32, #tpu.memory_space<hbm>> -> memref<128x128xf32, #tpu.memory_space<hbm>>
      tpu.wait_dma2 semaphore(%arg12 : memref<!tpu.dma_semaphore, #tpu.memory_space<semaphore_mem>>) src(%dma_wait3A_665 : memref<128x128xf32, #tpu.memory_space<hbm>>) dst(%dma_wait3A_662 : memref<128x128xf32, #tpu.memory_space<vmem>>)
      %dma_start3A_666 = arith.constant 3 : i32
      %dma_start3A_667 = arith.constant 0 : i32
      %dma_start3A_668 = arith.constant 3 : i32
      %dma_start3A_669 = arith.constant 0 : i32
      %dma_start3A_670 = arith.constant 0 : i32
      %dma_start3A_671 = tpu.memref_slice %arg9[%dma_start3A_668, %dma_start3A_669, %dma_start3A_670] : memref<4x128x128xf32, #tpu.memory_space<vmem>> -> memref<1x128x128xf32, #tpu.memory_space<vmem>>
      %dma_start3A_672 = tpu.memref_squeeze %dma_start3A_671 : memref<1x128x128xf32, #tpu.memory_space<vmem>> -> memref<128x128xf32, #tpu.memory_space<vmem>>
      %dma_start3A_673 = arith.constant 0 : i32
      %dma_start3A_674 = arith.constant 0 : i32
      %dma_start3A_675 = tpu.memref_slice %dma_start3A_672[%dma_start3A_673, %dma_start3A_674] : memref<128x128xf32, #tpu.memory_space<vmem>> -> memref<128x128xf32, #tpu.memory_space<vmem>>
      %dma_start3A_676 = arith.constant 0 : i32
      %dma_start3A_677 = tpu.memref_slice %arg8[%dma_start3A_666, %dma_start3A_667, %dma_start3A_676] : memref<4x1x128xi32, #tpu.memory_space<vmem>> -> memref<1x1x128xi32, #tpu.memory_space<vmem>>
      %dma_start3A_678 = tpu.memref_squeeze %dma_start3A_677 : memref<1x1x128xi32, #tpu.memory_space<vmem>> -> memref<128xi32, #tpu.memory_space<vmem>>
      %dma_start3A_679 = arith.constant 0 : i32
      %dma_start3A_680 = arith.constant 0 : i32
      %dma_start3A_681 = tpu.memref_slice %arg10[%dma_start3A_679, %dma_start3A_680] : memref<200x128xf32, #tpu.memory_space<vmem_shared>> -> memref<200x128xf32, #tpu.memory_space<vmem_shared>>
      tpu.enqueue_indirect_dma source(%dma_start3A_681 : memref<200x128xf32, #tpu.memory_space<vmem_shared>>) target(%dma_start3A_675 : memref<128x128xf32, #tpu.memory_space<vmem>>) offsets(%dma_start3A_678 : memref<128xi32, #tpu.memory_space<vmem>>) semaphore(%arg13 : memref<!tpu.dma_semaphore, #tpu.memory_space<semaphore_mem>>) {add = true}
      %dma_wait3A_682 = arith.constant 2 : i32
      %dma_wait3A_683 = arith.constant 0 : i32
      %dma_wait3A_684 = arith.constant 0 : i32
      %dma_wait3A_685 = tpu.memref_slice %arg9[%dma_wait3A_682, %dma_wait3A_683, %dma_wait3A_684] : memref<4x128x128xf32, #tpu.memory_space<vmem>> -> memref<1x128x128xf32, #tpu.memory_space<vmem>>
      %dma_wait3A_686 = tpu.memref_squeeze %dma_wait3A_685 : memref<1x128x128xf32, #tpu.memory_space<vmem>> -> memref<128x128xf32, #tpu.memory_space<vmem>>
      %dma_wait3A_687 = arith.constant 0 : i32
      %dma_wait3A_688 = arith.constant 0 : i32
      %dma_wait3A_689 = tpu.memref_slice %arg6[%dma_wait3A_687, %dma_wait3A_688] : memref<819200x128xf32, #tpu.memory_space<hbm>> -> memref<128x128xf32, #tpu.memory_space<hbm>>
      %dma_wait3A_690 = arith.constant 0 : i32
      %dma_wait3A_691 = arith.constant 0 : i32
      %dma_wait3A_692 = tpu.memref_slice %arg9[%dma_wait3A_682, %dma_wait3A_690, %dma_wait3A_691] : memref<4x128x128xf32, #tpu.memory_space<vmem>> -> memref<1x128x128xf32, #tpu.memory_space<vmem>>
      %dma_wait3A_693 = tpu.memref_squeeze %dma_wait3A_692 : memref<1x128x128xf32, #tpu.memory_space<vmem>> -> memref<128x128xf32, #tpu.memory_space<vmem>>
      %dma_wait3A_694 = arith.constant 0 : i32
      %dma_wait3A_695 = arith.constant 0 : i32
      %dma_wait3A_696 = tpu.memref_slice %arg6[%dma_wait3A_694, %dma_wait3A_695] : memref<819200x128xf32, #tpu.memory_space<hbm>> -> memref<128x128xf32, #tpu.memory_space<hbm>>
      tpu.wait_dma2 semaphore(%arg13 : memref<!tpu.dma_semaphore, #tpu.memory_space<semaphore_mem>>) src(%dma_wait3A_696 : memref<128x128xf32, #tpu.memory_space<hbm>>) dst(%dma_wait3A_693 : memref<128x128xf32, #tpu.memory_space<vmem>>)
      %sub3A = arith.constant 2 : i32
      %sub3A_697 = arith.subi %add3A_585, %sub3A : i32
      %mul3A_698 = arith.constant 128 : i32
      %mul3A_699 = arith.muli %sub3A_697, %mul3A_698 : i32
      %add3A_700 = arith.addi %mul3A_4, %mul3A_699 : i32
      %dma_start3A_701 = arith.constant 2 : i32
      %dma_start3A_702 = arith.constant 0 : i32
      %dma_start3A_703 = arith.constant 0 : i32
      %dma_start3A_704 = tpu.memref_slice %arg9[%dma_start3A_701, %dma_start3A_702, %dma_start3A_703] : memref<4x128x128xf32, #tpu.memory_space<vmem>> -> memref<1x128x128xf32, #tpu.memory_space<vmem>>
      %dma_start3A_705 = tpu.memref_squeeze %dma_start3A_704 : memref<1x128x128xf32, #tpu.memory_space<vmem>> -> memref<128x128xf32, #tpu.memory_space<vmem>>
      %dma_start3A_706 = arith.constant 0 : i32
      %dma_start3A_707 = tpu.memref_slice %arg6[%add3A_700, %dma_start3A_706] : memref<819200x128xf32, #tpu.memory_space<hbm>> -> memref<128x128xf32, #tpu.memory_space<hbm>>
      %dma_start3A_708 = arith.constant 0 : i32
      %dma_start3A_709 = tpu.memref_slice %arg6[%add3A_700, %dma_start3A_708] : memref<819200x128xf32, #tpu.memory_space<hbm>> -> memref<128x128xf32, #tpu.memory_space<hbm>>
      %dma_start3A_710 = arith.constant 0 : i32
      %dma_start3A_711 = arith.constant 0 : i32
      %dma_start3A_712 = tpu.memref_slice %arg9[%dma_start3A_701, %dma_start3A_710, %dma_start3A_711] : memref<4x128x128xf32, #tpu.memory_space<vmem>> -> memref<1x128x128xf32, #tpu.memory_space<vmem>>
      %dma_start3A_713 = tpu.memref_squeeze %dma_start3A_712 : memref<1x128x128xf32, #tpu.memory_space<vmem>> -> memref<128x128xf32, #tpu.memory_space<vmem>>
      tpu.enqueue_dma source(%dma_start3A_713 : memref<128x128xf32, #tpu.memory_space<vmem>>) target(%dma_start3A_709 : memref<128x128xf32, #tpu.memory_space<hbm>>) target_semaphore(%arg14 : memref<!tpu.dma_semaphore, #tpu.memory_space<semaphore_mem>>)
      %mul3A_714 = arith.constant 4 : i32
      %mul3A_715 = arith.muli %scan3A_581, %mul3A_714 : i32
      %add3A_716 = arith.constant 1 : i32
      %add3A_717 = arith.addi %mul3A_715, %add3A_716 : i32
      %dma_wait3A_718 = arith.constant 1 : i32
      %dma_wait3A_719 = arith.constant 0 : i32
      %dma_wait3A_720 = arith.constant 0 : i32
      %dma_wait3A_721 = tpu.memref_slice %arg9[%dma_wait3A_718, %dma_wait3A_719, %dma_wait3A_720] : memref<4x128x128xf32, #tpu.memory_space<vmem>> -> memref<1x128x128xf32, #tpu.memory_space<vmem>>
      %dma_wait3A_722 = tpu.memref_squeeze %dma_wait3A_721 : memref<1x128x128xf32, #tpu.memory_space<vmem>> -> memref<128x128xf32, #tpu.memory_space<vmem>>
      %dma_wait3A_723 = arith.constant 0 : i32
      %dma_wait3A_724 = arith.constant 0 : i32
      %dma_wait3A_725 = tpu.memref_slice %arg6[%dma_wait3A_723, %dma_wait3A_724] : memref<819200x128xf32, #tpu.memory_space<hbm>> -> memref<128x128xf32, #tpu.memory_space<hbm>>
      %dma_wait3A_726 = arith.constant 0 : i32
      %dma_wait3A_727 = arith.constant 0 : i32
      %dma_wait3A_728 = tpu.memref_slice %arg6[%dma_wait3A_726, %dma_wait3A_727] : memref<819200x128xf32, #tpu.memory_space<hbm>> -> memref<128x128xf32, #tpu.memory_space<hbm>>
      %dma_wait3A_729 = arith.constant 0 : i32
      %dma_wait3A_730 = arith.constant 0 : i32
      %dma_wait3A_731 = tpu.memref_slice %arg9[%dma_wait3A_718, %dma_wait3A_729, %dma_wait3A_730] : memref<4x128x128xf32, #tpu.memory_space<vmem>> -> memref<1x128x128xf32, #tpu.memory_space<vmem>>
      %dma_wait3A_732 = tpu.memref_squeeze %dma_wait3A_731 : memref<1x128x128xf32, #tpu.memory_space<vmem>> -> memref<128x128xf32, #tpu.memory_space<vmem>>
      tpu.wait_dma2 semaphore(%arg14 : memref<!tpu.dma_semaphore, #tpu.memory_space<semaphore_mem>>) src(%dma_wait3A_732 : memref<128x128xf32, #tpu.memory_space<vmem>>) dst(%dma_wait3A_728 : memref<128x128xf32, #tpu.memory_space<hbm>>)
      %dma_wait3A_733 = arith.constant 1 : i32
      %dma_wait3A_734 = arith.constant 0 : i32
      %dma_wait3A_735 = arith.constant 0 : i32
      %dma_wait3A_736 = tpu.memref_slice %arg7[%dma_wait3A_733, %dma_wait3A_734, %dma_wait3A_735] : memref<4x1x128xi32, #tpu.memory_space<vmem>> -> memref<1x1x128xi32, #tpu.memory_space<vmem>>
      %dma_wait3A_737 = tpu.memref_squeeze %dma_wait3A_736 : memref<1x1x128xi32, #tpu.memory_space<vmem>> -> memref<1x128xi32, #tpu.memory_space<vmem>>
      %dma_wait3A_738 = arith.constant 0 : i32
      %dma_wait3A_739 = arith.constant 0 : i32
      %dma_wait3A_740 = tpu.memref_slice %arg2[%dma_wait3A_738, %dma_wait3A_739] : memref<6400x128xi32, #tpu.memory_space<hbm>> -> memref<1x128xi32, #tpu.memory_space<hbm>>
      %dma_wait3A_741 = arith.constant 0 : i32
      %dma_wait3A_742 = arith.constant 0 : i32
      %dma_wait3A_743 = tpu.memref_slice %arg7[%dma_wait3A_733, %dma_wait3A_741, %dma_wait3A_742] : memref<4x1x128xi32, #tpu.memory_space<vmem>> -> memref<1x1x128xi32, #tpu.memory_space<vmem>>
      %dma_wait3A_744 = tpu.memref_squeeze %dma_wait3A_743 : memref<1x1x128xi32, #tpu.memory_space<vmem>> -> memref<1x128xi32, #tpu.memory_space<vmem>>
      %dma_wait3A_745 = arith.constant 0 : i32
      %dma_wait3A_746 = arith.constant 0 : i32
      %dma_wait3A_747 = tpu.memref_slice %arg2[%dma_wait3A_745, %dma_wait3A_746] : memref<6400x128xi32, #tpu.memory_space<hbm>> -> memref<1x128xi32, #tpu.memory_space<hbm>>
      tpu.wait_dma2 semaphore(%arg11 : memref<!tpu.dma_semaphore, #tpu.memory_space<semaphore_mem>>) src(%dma_wait3A_747 : memref<1x128xi32, #tpu.memory_space<hbm>>) dst(%dma_wait3A_744 : memref<1x128xi32, #tpu.memory_space<vmem>>)
      %dma_wait3A_748 = arith.constant 1 : i32
      %dma_wait3A_749 = arith.constant 0 : i32
      %dma_wait3A_750 = arith.constant 0 : i32
      %dma_wait3A_751 = tpu.memref_slice %arg8[%dma_wait3A_748, %dma_wait3A_749, %dma_wait3A_750] : memref<4x1x128xi32, #tpu.memory_space<vmem>> -> memref<1x1x128xi32, #tpu.memory_space<vmem>>
      %dma_wait3A_752 = tpu.memref_squeeze %dma_wait3A_751 : memref<1x1x128xi32, #tpu.memory_space<vmem>> -> memref<1x128xi32, #tpu.memory_space<vmem>>
      %dma_wait3A_753 = arith.constant 0 : i32
      %dma_wait3A_754 = arith.constant 0 : i32
      %dma_wait3A_755 = tpu.memref_slice %arg3[%dma_wait3A_753, %dma_wait3A_754] : memref<6400x128xi32, #tpu.memory_space<hbm>> -> memref<1x128xi32, #tpu.memory_space<hbm>>
      %dma_wait3A_756 = arith.constant 0 : i32
      %dma_wait3A_757 = arith.constant 0 : i32
      %dma_wait3A_758 = tpu.memref_slice %arg8[%dma_wait3A_748, %dma_wait3A_756, %dma_wait3A_757] : memref<4x1x128xi32, #tpu.memory_space<vmem>> -> memref<1x1x128xi32, #tpu.memory_space<vmem>>
      %dma_wait3A_759 = tpu.memref_squeeze %dma_wait3A_758 : memref<1x1x128xi32, #tpu.memory_space<vmem>> -> memref<1x128xi32, #tpu.memory_space<vmem>>
      %dma_wait3A_760 = arith.constant 0 : i32
      %dma_wait3A_761 = arith.constant 0 : i32
      %dma_wait3A_762 = tpu.memref_slice %arg3[%dma_wait3A_760, %dma_wait3A_761] : memref<6400x128xi32, #tpu.memory_space<hbm>> -> memref<1x128xi32, #tpu.memory_space<hbm>>
      tpu.wait_dma2 semaphore(%arg11 : memref<!tpu.dma_semaphore, #tpu.memory_space<semaphore_mem>>) src(%dma_wait3A_762 : memref<1x128xi32, #tpu.memory_space<hbm>>) dst(%dma_wait3A_759 : memref<1x128xi32, #tpu.memory_space<vmem>>)
      %dma_start3A_763 = arith.constant 1 : i32
      %dma_start3A_764 = arith.constant 0 : i32
      %dma_start3A_765 = arith.constant 1 : i32
      %dma_start3A_766 = arith.constant 0 : i32
      %dma_start3A_767 = arith.constant 0 : i32
      %dma_start3A_768 = tpu.memref_slice %arg9[%dma_start3A_765, %dma_start3A_766, %dma_start3A_767] : memref<4x128x128xf32, #tpu.memory_space<vmem>> -> memref<1x128x128xf32, #tpu.memory_space<vmem>>
      %dma_start3A_769 = tpu.memref_squeeze %dma_start3A_768 : memref<1x128x128xf32, #tpu.memory_space<vmem>> -> memref<128x128xf32, #tpu.memory_space<vmem>>
      %dma_start3A_770 = arith.constant 0 : i32
      %dma_start3A_771 = arith.constant 0 : i32
      %dma_start3A_772 = tpu.memref_slice %dma_start3A_769[%dma_start3A_770, %dma_start3A_771] : memref<128x128xf32, #tpu.memory_space<vmem>> -> memref<128x128xf32, #tpu.memory_space<vmem>>
      %dma_start3A_773 = arith.constant 0 : i32
      %dma_start3A_774 = tpu.memref_slice %arg7[%dma_start3A_763, %dma_start3A_764, %dma_start3A_773] : memref<4x1x128xi32, #tpu.memory_space<vmem>> -> memref<1x1x128xi32, #tpu.memory_space<vmem>>
      %dma_start3A_775 = tpu.memref_squeeze %dma_start3A_774 : memref<1x1x128xi32, #tpu.memory_space<vmem>> -> memref<128xi32, #tpu.memory_space<vmem>>
      %dma_start3A_776 = arith.constant 0 : i32
      %dma_start3A_777 = arith.constant 0 : i32
      %dma_start3A_778 = tpu.memref_slice %arg4[%dma_start3A_776, %dma_start3A_777] : memref<1000000x128xf32, #tpu.memory_space<hbm>> -> memref<1000000x128xf32, #tpu.memory_space<hbm>>
      tpu.enqueue_indirect_dma source(%dma_start3A_778 : memref<1000000x128xf32, #tpu.memory_space<hbm>>) target(%dma_start3A_772 : memref<128x128xf32, #tpu.memory_space<vmem>>) offsets(%dma_start3A_775 : memref<128xi32, #tpu.memory_space<vmem>>) semaphore(%arg12 : memref<!tpu.dma_semaphore, #tpu.memory_space<semaphore_mem>>)
      %lt3A_779 = arith.constant 199 : i32
      %lt3A_780 = arith.cmpi slt, %add3A_717, %lt3A_779 : i32
      %convert_element_type3A_781 = arith.extui %lt3A_780 : i1 to i32
      %cond3A_782 = arith.constant 0 : i32
      %cond3A_783 = arith.cmpi ne, %convert_element_type3A_781, %cond3A_782 : i32
      scf.if %cond3A_783 {
        %add3A_1116 = arith.constant 1 : i32
        %add3A_1117 = arith.addi %add3A_717, %add3A_1116 : i32
        %mul3A_1118 = arith.constant 1 : i32
        %mul3A_1119 = arith.muli %add3A_1117, %mul3A_1118 : i32
        %add3A_1120 = arith.addi %mul3A_2, %mul3A_1119 : i32
        %dma_start3A_1121 = arith.constant 2 : i32
        %dma_start3A_1122 = arith.constant 0 : i32
        %dma_start3A_1123 = arith.constant 0 : i32
        %dma_start3A_1124 = tpu.memref_slice %arg7[%dma_start3A_1121, %dma_start3A_1122, %dma_start3A_1123] : memref<4x1x128xi32, #tpu.memory_space<vmem>> -> memref<1x1x128xi32, #tpu.memory_space<vmem>>
        %dma_start3A_1125 = tpu.memref_squeeze %dma_start3A_1124 : memref<1x1x128xi32, #tpu.memory_space<vmem>> -> memref<1x128xi32, #tpu.memory_space<vmem>>
        %dma_start3A_1126 = arith.constant 0 : i32
        %dma_start3A_1127 = tpu.memref_slice %arg2[%add3A_1120, %dma_start3A_1126] : memref<6400x128xi32, #tpu.memory_space<hbm>> -> memref<1x128xi32, #tpu.memory_space<hbm>>
        %dma_start3A_1128 = arith.constant 0 : i32
        %dma_start3A_1129 = arith.constant 0 : i32
        %dma_start3A_1130 = tpu.memref_slice %arg7[%dma_start3A_1121, %dma_start3A_1128, %dma_start3A_1129] : memref<4x1x128xi32, #tpu.memory_space<vmem>> -> memref<1x1x128xi32, #tpu.memory_space<vmem>>
        %dma_start3A_1131 = tpu.memref_squeeze %dma_start3A_1130 : memref<1x1x128xi32, #tpu.memory_space<vmem>> -> memref<1x128xi32, #tpu.memory_space<vmem>>
        %dma_start3A_1132 = arith.constant 0 : i32
        %dma_start3A_1133 = tpu.memref_slice %arg2[%add3A_1120, %dma_start3A_1132] : memref<6400x128xi32, #tpu.memory_space<hbm>> -> memref<1x128xi32, #tpu.memory_space<hbm>>
        tpu.enqueue_dma source(%dma_start3A_1133 : memref<1x128xi32, #tpu.memory_space<hbm>>) target(%dma_start3A_1131 : memref<1x128xi32, #tpu.memory_space<vmem>>) target_semaphore(%arg11 : memref<!tpu.dma_semaphore, #tpu.memory_space<semaphore_mem>>)
        %dma_start3A_1134 = arith.constant 2 : i32
        %dma_start3A_1135 = arith.constant 0 : i32
        %dma_start3A_1136 = arith.constant 0 : i32
        %dma_start3A_1137 = tpu.memref_slice %arg8[%dma_start3A_1134, %dma_start3A_1135, %dma_start3A_1136] : memref<4x1x128xi32, #tpu.memory_space<vmem>> -> memref<1x1x128xi32, #tpu.memory_space<vmem>>
        %dma_start3A_1138 = tpu.memref_squeeze %dma_start3A_1137 : memref<1x1x128xi32, #tpu.memory_space<vmem>> -> memref<1x128xi32, #tpu.memory_space<vmem>>
        %dma_start3A_1139 = arith.constant 0 : i32
        %dma_start3A_1140 = tpu.memref_slice %arg3[%add3A_1120, %dma_start3A_1139] : memref<6400x128xi32, #tpu.memory_space<hbm>> -> memref<1x128xi32, #tpu.memory_space<hbm>>
        %dma_start3A_1141 = arith.constant 0 : i32
        %dma_start3A_1142 = arith.constant 0 : i32
        %dma_start3A_1143 = tpu.memref_slice %arg8[%dma_start3A_1134, %dma_start3A_1141, %dma_start3A_1142] : memref<4x1x128xi32, #tpu.memory_space<vmem>> -> memref<1x1x128xi32, #tpu.memory_space<vmem>>
        %dma_start3A_1144 = tpu.memref_squeeze %dma_start3A_1143 : memref<1x1x128xi32, #tpu.memory_space<vmem>> -> memref<1x128xi32, #tpu.memory_space<vmem>>
        %dma_start3A_1145 = arith.constant 0 : i32
        %dma_start3A_1146 = tpu.memref_slice %arg3[%add3A_1120, %dma_start3A_1145] : memref<6400x128xi32, #tpu.memory_space<hbm>> -> memref<1x128xi32, #tpu.memory_space<hbm>>
        tpu.enqueue_dma source(%dma_start3A_1146 : memref<1x128xi32, #tpu.memory_space<hbm>>) target(%dma_start3A_1144 : memref<1x128xi32, #tpu.memory_space<vmem>>) target_semaphore(%arg11 : memref<!tpu.dma_semaphore, #tpu.memory_space<semaphore_mem>>)
      } else {
      }
      %dma_wait3A_784 = arith.constant 0 : i32
      %dma_wait3A_785 = arith.constant 0 : i32
      %dma_wait3A_786 = arith.constant 0 : i32
      %dma_wait3A_787 = tpu.memref_slice %arg9[%dma_wait3A_784, %dma_wait3A_785, %dma_wait3A_786] : memref<4x128x128xf32, #tpu.memory_space<vmem>> -> memref<1x128x128xf32, #tpu.memory_space<vmem>>
      %dma_wait3A_788 = tpu.memref_squeeze %dma_wait3A_787 : memref<1x128x128xf32, #tpu.memory_space<vmem>> -> memref<128x128xf32, #tpu.memory_space<vmem>>
      %dma_wait3A_789 = arith.constant 0 : i32
      %dma_wait3A_790 = arith.constant 0 : i32
      %dma_wait3A_791 = tpu.memref_slice %arg6[%dma_wait3A_789, %dma_wait3A_790] : memref<819200x128xf32, #tpu.memory_space<hbm>> -> memref<128x128xf32, #tpu.memory_space<hbm>>
      %dma_wait3A_792 = arith.constant 0 : i32
      %dma_wait3A_793 = arith.constant 0 : i32
      %dma_wait3A_794 = tpu.memref_slice %arg9[%dma_wait3A_784, %dma_wait3A_792, %dma_wait3A_793] : memref<4x128x128xf32, #tpu.memory_space<vmem>> -> memref<1x128x128xf32, #tpu.memory_space<vmem>>
      %dma_wait3A_795 = tpu.memref_squeeze %dma_wait3A_794 : memref<1x128x128xf32, #tpu.memory_space<vmem>> -> memref<128x128xf32, #tpu.memory_space<vmem>>
      %dma_wait3A_796 = arith.constant 0 : i32
      %dma_wait3A_797 = arith.constant 0 : i32
      %dma_wait3A_798 = tpu.memref_slice %arg6[%dma_wait3A_796, %dma_wait3A_797] : memref<819200x128xf32, #tpu.memory_space<hbm>> -> memref<128x128xf32, #tpu.memory_space<hbm>>
      tpu.wait_dma2 semaphore(%arg12 : memref<!tpu.dma_semaphore, #tpu.memory_space<semaphore_mem>>) src(%dma_wait3A_798 : memref<128x128xf32, #tpu.memory_space<hbm>>) dst(%dma_wait3A_795 : memref<128x128xf32, #tpu.memory_space<vmem>>)
      %dma_start3A_799 = arith.constant 0 : i32
      %dma_start3A_800 = arith.constant 0 : i32
      %dma_start3A_801 = arith.constant 0 : i32
      %dma_start3A_802 = arith.constant 0 : i32
      %dma_start3A_803 = arith.constant 0 : i32
      %dma_start3A_804 = tpu.memref_slice %arg9[%dma_start3A_801, %dma_start3A_802, %dma_start3A_803] : memref<4x128x128xf32, #tpu.memory_space<vmem>> -> memref<1x128x128xf32, #tpu.memory_space<vmem>>
      %dma_start3A_805 = tpu.memref_squeeze %dma_start3A_804 : memref<1x128x128xf32, #tpu.memory_space<vmem>> -> memref<128x128xf32, #tpu.memory_space<vmem>>
      %dma_start3A_806 = arith.constant 0 : i32
      %dma_start3A_807 = arith.constant 0 : i32
      %dma_start3A_808 = tpu.memref_slice %dma_start3A_805[%dma_start3A_806, %dma_start3A_807] : memref<128x128xf32, #tpu.memory_space<vmem>> -> memref<128x128xf32, #tpu.memory_space<vmem>>
      %dma_start3A_809 = arith.constant 0 : i32
      %dma_start3A_810 = tpu.memref_slice %arg8[%dma_start3A_799, %dma_start3A_800, %dma_start3A_809] : memref<4x1x128xi32, #tpu.memory_space<vmem>> -> memref<1x1x128xi32, #tpu.memory_space<vmem>>
      %dma_start3A_811 = tpu.memref_squeeze %dma_start3A_810 : memref<1x1x128xi32, #tpu.memory_space<vmem>> -> memref<128xi32, #tpu.memory_space<vmem>>
      %dma_start3A_812 = arith.constant 0 : i32
      %dma_start3A_813 = arith.constant 0 : i32
      %dma_start3A_814 = tpu.memref_slice %arg10[%dma_start3A_812, %dma_start3A_813] : memref<200x128xf32, #tpu.memory_space<vmem_shared>> -> memref<200x128xf32, #tpu.memory_space<vmem_shared>>
      tpu.enqueue_indirect_dma source(%dma_start3A_814 : memref<200x128xf32, #tpu.memory_space<vmem_shared>>) target(%dma_start3A_808 : memref<128x128xf32, #tpu.memory_space<vmem>>) offsets(%dma_start3A_811 : memref<128xi32, #tpu.memory_space<vmem>>) semaphore(%arg13 : memref<!tpu.dma_semaphore, #tpu.memory_space<semaphore_mem>>) {add = true}
      %dma_wait3A_815 = arith.constant 3 : i32
      %dma_wait3A_816 = arith.constant 0 : i32
      %dma_wait3A_817 = arith.constant 0 : i32
      %dma_wait3A_818 = tpu.memref_slice %arg9[%dma_wait3A_815, %dma_wait3A_816, %dma_wait3A_817] : memref<4x128x128xf32, #tpu.memory_space<vmem>> -> memref<1x128x128xf32, #tpu.memory_space<vmem>>
      %dma_wait3A_819 = tpu.memref_squeeze %dma_wait3A_818 : memref<1x128x128xf32, #tpu.memory_space<vmem>> -> memref<128x128xf32, #tpu.memory_space<vmem>>
      %dma_wait3A_820 = arith.constant 0 : i32
      %dma_wait3A_821 = arith.constant 0 : i32
      %dma_wait3A_822 = tpu.memref_slice %arg6[%dma_wait3A_820, %dma_wait3A_821] : memref<819200x128xf32, #tpu.memory_space<hbm>> -> memref<128x128xf32, #tpu.memory_space<hbm>>
      %dma_wait3A_823 = arith.constant 0 : i32
      %dma_wait3A_824 = arith.constant 0 : i32
      %dma_wait3A_825 = tpu.memref_slice %arg9[%dma_wait3A_815, %dma_wait3A_823, %dma_wait3A_824] : memref<4x128x128xf32, #tpu.memory_space<vmem>> -> memref<1x128x128xf32, #tpu.memory_space<vmem>>
      %dma_wait3A_826 = tpu.memref_squeeze %dma_wait3A_825 : memref<1x128x128xf32, #tpu.memory_space<vmem>> -> memref<128x128xf32, #tpu.memory_space<vmem>>
      %dma_wait3A_827 = arith.constant 0 : i32
      %dma_wait3A_828 = arith.constant 0 : i32
      %dma_wait3A_829 = tpu.memref_slice %arg6[%dma_wait3A_827, %dma_wait3A_828] : memref<819200x128xf32, #tpu.memory_space<hbm>> -> memref<128x128xf32, #tpu.memory_space<hbm>>
      tpu.wait_dma2 semaphore(%arg13 : memref<!tpu.dma_semaphore, #tpu.memory_space<semaphore_mem>>) src(%dma_wait3A_829 : memref<128x128xf32, #tpu.memory_space<hbm>>) dst(%dma_wait3A_826 : memref<128x128xf32, #tpu.memory_space<vmem>>)
      %sub3A_830 = arith.constant 2 : i32
      %sub3A_831 = arith.subi %add3A_717, %sub3A_830 : i32
      %mul3A_832 = arith.constant 128 : i32
      %mul3A_833 = arith.muli %sub3A_831, %mul3A_832 : i32
      %add3A_834 = arith.addi %mul3A_4, %mul3A_833 : i32
      %dma_start3A_835 = arith.constant 3 : i32
      %dma_start3A_836 = arith.constant 0 : i32
      %dma_start3A_837 = arith.constant 0 : i32
      %dma_start3A_838 = tpu.memref_slice %arg9[%dma_start3A_835, %dma_start3A_836, %dma_start3A_837] : memref<4x128x128xf32, #tpu.memory_space<vmem>> -> memref<1x128x128xf32, #tpu.memory_space<vmem>>
      %dma_start3A_839 = tpu.memref_squeeze %dma_start3A_838 : memref<1x128x128xf32, #tpu.memory_space<vmem>> -> memref<128x128xf32, #tpu.memory_space<vmem>>
      %dma_start3A_840 = arith.constant 0 : i32
      %dma_start3A_841 = tpu.memref_slice %arg6[%add3A_834, %dma_start3A_840] : memref<819200x128xf32, #tpu.memory_space<hbm>> -> memref<128x128xf32, #tpu.memory_space<hbm>>
      %dma_start3A_842 = arith.constant 0 : i32
      %dma_start3A_843 = tpu.memref_slice %arg6[%add3A_834, %dma_start3A_842] : memref<819200x128xf32, #tpu.memory_space<hbm>> -> memref<128x128xf32, #tpu.memory_space<hbm>>
      %dma_start3A_844 = arith.constant 0 : i32
      %dma_start3A_845 = arith.constant 0 : i32
      %dma_start3A_846 = tpu.memref_slice %arg9[%dma_start3A_835, %dma_start3A_844, %dma_start3A_845] : memref<4x128x128xf32, #tpu.memory_space<vmem>> -> memref<1x128x128xf32, #tpu.memory_space<vmem>>
      %dma_start3A_847 = tpu.memref_squeeze %dma_start3A_846 : memref<1x128x128xf32, #tpu.memory_space<vmem>> -> memref<128x128xf32, #tpu.memory_space<vmem>>
      tpu.enqueue_dma source(%dma_start3A_847 : memref<128x128xf32, #tpu.memory_space<vmem>>) target(%dma_start3A_843 : memref<128x128xf32, #tpu.memory_space<hbm>>) target_semaphore(%arg14 : memref<!tpu.dma_semaphore, #tpu.memory_space<semaphore_mem>>)
      %mul3A_848 = arith.constant 4 : i32
      %mul3A_849 = arith.muli %scan3A_581, %mul3A_848 : i32
      %add3A_850 = arith.constant 2 : i32
      %add3A_851 = arith.addi %mul3A_849, %add3A_850 : i32
      %dma_wait3A_852 = arith.constant 2 : i32
      %dma_wait3A_853 = arith.constant 0 : i32
      %dma_wait3A_854 = arith.constant 0 : i32
      %dma_wait3A_855 = tpu.memref_slice %arg9[%dma_wait3A_852, %dma_wait3A_853, %dma_wait3A_854] : memref<4x128x128xf32, #tpu.memory_space<vmem>> -> memref<1x128x128xf32, #tpu.memory_space<vmem>>
      %dma_wait3A_856 = tpu.memref_squeeze %dma_wait3A_855 : memref<1x128x128xf32, #tpu.memory_space<vmem>> -> memref<128x128xf32, #tpu.memory_space<vmem>>
      %dma_wait3A_857 = arith.constant 0 : i32
      %dma_wait3A_858 = arith.constant 0 : i32
      %dma_wait3A_859 = tpu.memref_slice %arg6[%dma_wait3A_857, %dma_wait3A_858] : memref<819200x128xf32, #tpu.memory_space<hbm>> -> memref<128x128xf32, #tpu.memory_space<hbm>>
      %dma_wait3A_860 = arith.constant 0 : i32
      %dma_wait3A_861 = arith.constant 0 : i32
      %dma_wait3A_862 = tpu.memref_slice %arg6[%dma_wait3A_860, %dma_wait3A_861] : memref<819200x128xf32, #tpu.memory_space<hbm>> -> memref<128x128xf32, #tpu.memory_space<hbm>>
      %dma_wait3A_863 = arith.constant 0 : i32
      %dma_wait3A_864 = arith.constant 0 : i32
      %dma_wait3A_865 = tpu.memref_slice %arg9[%dma_wait3A_852, %dma_wait3A_863, %dma_wait3A_864] : memref<4x128x128xf32, #tpu.memory_space<vmem>> -> memref<1x128x128xf32, #tpu.memory_space<vmem>>
      %dma_wait3A_866 = tpu.memref_squeeze %dma_wait3A_865 : memref<1x128x128xf32, #tpu.memory_space<vmem>> -> memref<128x128xf32, #tpu.memory_space<vmem>>
      tpu.wait_dma2 semaphore(%arg14 : memref<!tpu.dma_semaphore, #tpu.memory_space<semaphore_mem>>) src(%dma_wait3A_866 : memref<128x128xf32, #tpu.memory_space<vmem>>) dst(%dma_wait3A_862 : memref<128x128xf32, #tpu.memory_space<hbm>>)
      %dma_wait3A_867 = arith.constant 2 : i32
      %dma_wait3A_868 = arith.constant 0 : i32
      %dma_wait3A_869 = arith.constant 0 : i32
      %dma_wait3A_870 = tpu.memref_slice %arg7[%dma_wait3A_867, %dma_wait3A_868, %dma_wait3A_869] : memref<4x1x128xi32, #tpu.memory_space<vmem>> -> memref<1x1x128xi32, #tpu.memory_space<vmem>>
      %dma_wait3A_871 = tpu.memref_squeeze %dma_wait3A_870 : memref<1x1x128xi32, #tpu.memory_space<vmem>> -> memref<1x128xi32, #tpu.memory_space<vmem>>
      %dma_wait3A_872 = arith.constant 0 : i32
      %dma_wait3A_873 = arith.constant 0 : i32
      %dma_wait3A_874 = tpu.memref_slice %arg2[%dma_wait3A_872, %dma_wait3A_873] : memref<6400x128xi32, #tpu.memory_space<hbm>> -> memref<1x128xi32, #tpu.memory_space<hbm>>
      %dma_wait3A_875 = arith.constant 0 : i32
      %dma_wait3A_876 = arith.constant 0 : i32
      %dma_wait3A_877 = tpu.memref_slice %arg7[%dma_wait3A_867, %dma_wait3A_875, %dma_wait3A_876] : memref<4x1x128xi32, #tpu.memory_space<vmem>> -> memref<1x1x128xi32, #tpu.memory_space<vmem>>
      %dma_wait3A_878 = tpu.memref_squeeze %dma_wait3A_877 : memref<1x1x128xi32, #tpu.memory_space<vmem>> -> memref<1x128xi32, #tpu.memory_space<vmem>>
      %dma_wait3A_879 = arith.constant 0 : i32
      %dma_wait3A_880 = arith.constant 0 : i32
      %dma_wait3A_881 = tpu.memref_slice %arg2[%dma_wait3A_879, %dma_wait3A_880] : memref<6400x128xi32, #tpu.memory_space<hbm>> -> memref<1x128xi32, #tpu.memory_space<hbm>>
      tpu.wait_dma2 semaphore(%arg11 : memref<!tpu.dma_semaphore, #tpu.memory_space<semaphore_mem>>) src(%dma_wait3A_881 : memref<1x128xi32, #tpu.memory_space<hbm>>) dst(%dma_wait3A_878 : memref<1x128xi32, #tpu.memory_space<vmem>>)
      %dma_wait3A_882 = arith.constant 2 : i32
      %dma_wait3A_883 = arith.constant 0 : i32
      %dma_wait3A_884 = arith.constant 0 : i32
      %dma_wait3A_885 = tpu.memref_slice %arg8[%dma_wait3A_882, %dma_wait3A_883, %dma_wait3A_884] : memref<4x1x128xi32, #tpu.memory_space<vmem>> -> memref<1x1x128xi32, #tpu.memory_space<vmem>>
      %dma_wait3A_886 = tpu.memref_squeeze %dma_wait3A_885 : memref<1x1x128xi32, #tpu.memory_space<vmem>> -> memref<1x128xi32, #tpu.memory_space<vmem>>
      %dma_wait3A_887 = arith.constant 0 : i32
      %dma_wait3A_888 = arith.constant 0 : i32
      %dma_wait3A_889 = tpu.memref_slice %arg3[%dma_wait3A_887, %dma_wait3A_888] : memref<6400x128xi32, #tpu.memory_space<hbm>> -> memref<1x128xi32, #tpu.memory_space<hbm>>
      %dma_wait3A_890 = arith.constant 0 : i32
      %dma_wait3A_891 = arith.constant 0 : i32
      %dma_wait3A_892 = tpu.memref_slice %arg8[%dma_wait3A_882, %dma_wait3A_890, %dma_wait3A_891] : memref<4x1x128xi32, #tpu.memory_space<vmem>> -> memref<1x1x128xi32, #tpu.memory_space<vmem>>
      %dma_wait3A_893 = tpu.memref_squeeze %dma_wait3A_892 : memref<1x1x128xi32, #tpu.memory_space<vmem>> -> memref<1x128xi32, #tpu.memory_space<vmem>>
      %dma_wait3A_894 = arith.constant 0 : i32
      %dma_wait3A_895 = arith.constant 0 : i32
      %dma_wait3A_896 = tpu.memref_slice %arg3[%dma_wait3A_894, %dma_wait3A_895] : memref<6400x128xi32, #tpu.memory_space<hbm>> -> memref<1x128xi32, #tpu.memory_space<hbm>>
      tpu.wait_dma2 semaphore(%arg11 : memref<!tpu.dma_semaphore, #tpu.memory_space<semaphore_mem>>) src(%dma_wait3A_896 : memref<1x128xi32, #tpu.memory_space<hbm>>) dst(%dma_wait3A_893 : memref<1x128xi32, #tpu.memory_space<vmem>>)
      %dma_start3A_897 = arith.constant 2 : i32
      %dma_start3A_898 = arith.constant 0 : i32
      %dma_start3A_899 = arith.constant 2 : i32
      %dma_start3A_900 = arith.constant 0 : i32
      %dma_start3A_901 = arith.constant 0 : i32
      %dma_start3A_902 = tpu.memref_slice %arg9[%dma_start3A_899, %dma_start3A_900, %dma_start3A_901] : memref<4x128x128xf32, #tpu.memory_space<vmem>> -> memref<1x128x128xf32, #tpu.memory_space<vmem>>
      %dma_start3A_903 = tpu.memref_squeeze %dma_start3A_902 : memref<1x128x128xf32, #tpu.memory_space<vmem>> -> memref<128x128xf32, #tpu.memory_space<vmem>>
      %dma_start3A_904 = arith.constant 0 : i32
      %dma_start3A_905 = arith.constant 0 : i32
      %dma_start3A_906 = tpu.memref_slice %dma_start3A_903[%dma_start3A_904, %dma_start3A_905] : memref<128x128xf32, #tpu.memory_space<vmem>> -> memref<128x128xf32, #tpu.memory_space<vmem>>
      %dma_start3A_907 = arith.constant 0 : i32
      %dma_start3A_908 = tpu.memref_slice %arg7[%dma_start3A_897, %dma_start3A_898, %dma_start3A_907] : memref<4x1x128xi32, #tpu.memory_space<vmem>> -> memref<1x1x128xi32, #tpu.memory_space<vmem>>
      %dma_start3A_909 = tpu.memref_squeeze %dma_start3A_908 : memref<1x1x128xi32, #tpu.memory_space<vmem>> -> memref<128xi32, #tpu.memory_space<vmem>>
      %dma_start3A_910 = arith.constant 0 : i32
      %dma_start3A_911 = arith.constant 0 : i32
      %dma_start3A_912 = tpu.memref_slice %arg4[%dma_start3A_910, %dma_start3A_911] : memref<1000000x128xf32, #tpu.memory_space<hbm>> -> memref<1000000x128xf32, #tpu.memory_space<hbm>>
      tpu.enqueue_indirect_dma source(%dma_start3A_912 : memref<1000000x128xf32, #tpu.memory_space<hbm>>) target(%dma_start3A_906 : memref<128x128xf32, #tpu.memory_space<vmem>>) offsets(%dma_start3A_909 : memref<128xi32, #tpu.memory_space<vmem>>) semaphore(%arg12 : memref<!tpu.dma_semaphore, #tpu.memory_space<semaphore_mem>>)
      %lt3A_913 = arith.constant 199 : i32
      %lt3A_914 = arith.cmpi slt, %add3A_851, %lt3A_913 : i32
      %convert_element_type3A_915 = arith.extui %lt3A_914 : i1 to i32
      %cond3A_916 = arith.constant 0 : i32
      %cond3A_917 = arith.cmpi ne, %convert_element_type3A_915, %cond3A_916 : i32
      scf.if %cond3A_917 {
        %add3A_1116 = arith.constant 1 : i32
        %add3A_1117 = arith.addi %add3A_851, %add3A_1116 : i32
        %mul3A_1118 = arith.constant 1 : i32
        %mul3A_1119 = arith.muli %add3A_1117, %mul3A_1118 : i32
        %add3A_1120 = arith.addi %mul3A_2, %mul3A_1119 : i32
        %dma_start3A_1121 = arith.constant 3 : i32
        %dma_start3A_1122 = arith.constant 0 : i32
        %dma_start3A_1123 = arith.constant 0 : i32
        %dma_start3A_1124 = tpu.memref_slice %arg7[%dma_start3A_1121, %dma_start3A_1122, %dma_start3A_1123] : memref<4x1x128xi32, #tpu.memory_space<vmem>> -> memref<1x1x128xi32, #tpu.memory_space<vmem>>
        %dma_start3A_1125 = tpu.memref_squeeze %dma_start3A_1124 : memref<1x1x128xi32, #tpu.memory_space<vmem>> -> memref<1x128xi32, #tpu.memory_space<vmem>>
        %dma_start3A_1126 = arith.constant 0 : i32
        %dma_start3A_1127 = tpu.memref_slice %arg2[%add3A_1120, %dma_start3A_1126] : memref<6400x128xi32, #tpu.memory_space<hbm>> -> memref<1x128xi32, #tpu.memory_space<hbm>>
        %dma_start3A_1128 = arith.constant 0 : i32
        %dma_start3A_1129 = arith.constant 0 : i32
        %dma_start3A_1130 = tpu.memref_slice %arg7[%dma_start3A_1121, %dma_start3A_1128, %dma_start3A_1129] : memref<4x1x128xi32, #tpu.memory_space<vmem>> -> memref<1x1x128xi32, #tpu.memory_space<vmem>>
        %dma_start3A_1131 = tpu.memref_squeeze %dma_start3A_1130 : memref<1x1x128xi32, #tpu.memory_space<vmem>> -> memref<1x128xi32, #tpu.memory_space<vmem>>
        %dma_start3A_1132 = arith.constant 0 : i32
        %dma_start3A_1133 = tpu.memref_slice %arg2[%add3A_1120, %dma_start3A_1132] : memref<6400x128xi32, #tpu.memory_space<hbm>> -> memref<1x128xi32, #tpu.memory_space<hbm>>
        tpu.enqueue_dma source(%dma_start3A_1133 : memref<1x128xi32, #tpu.memory_space<hbm>>) target(%dma_start3A_1131 : memref<1x128xi32, #tpu.memory_space<vmem>>) target_semaphore(%arg11 : memref<!tpu.dma_semaphore, #tpu.memory_space<semaphore_mem>>)
        %dma_start3A_1134 = arith.constant 3 : i32
        %dma_start3A_1135 = arith.constant 0 : i32
        %dma_start3A_1136 = arith.constant 0 : i32
        %dma_start3A_1137 = tpu.memref_slice %arg8[%dma_start3A_1134, %dma_start3A_1135, %dma_start3A_1136] : memref<4x1x128xi32, #tpu.memory_space<vmem>> -> memref<1x1x128xi32, #tpu.memory_space<vmem>>
        %dma_start3A_1138 = tpu.memref_squeeze %dma_start3A_1137 : memref<1x1x128xi32, #tpu.memory_space<vmem>> -> memref<1x128xi32, #tpu.memory_space<vmem>>
        %dma_start3A_1139 = arith.constant 0 : i32
        %dma_start3A_1140 = tpu.memref_slice %arg3[%add3A_1120, %dma_start3A_1139] : memref<6400x128xi32, #tpu.memory_space<hbm>> -> memref<1x128xi32, #tpu.memory_space<hbm>>
        %dma_start3A_1141 = arith.constant 0 : i32
        %dma_start3A_1142 = arith.constant 0 : i32
        %dma_start3A_1143 = tpu.memref_slice %arg8[%dma_start3A_1134, %dma_start3A_1141, %dma_start3A_1142] : memref<4x1x128xi32, #tpu.memory_space<vmem>> -> memref<1x1x128xi32, #tpu.memory_space<vmem>>
        %dma_start3A_1144 = tpu.memref_squeeze %dma_start3A_1143 : memref<1x1x128xi32, #tpu.memory_space<vmem>> -> memref<1x128xi32, #tpu.memory_space<vmem>>
        %dma_start3A_1145 = arith.constant 0 : i32
        %dma_start3A_1146 = tpu.memref_slice %arg3[%add3A_1120, %dma_start3A_1145] : memref<6400x128xi32, #tpu.memory_space<hbm>> -> memref<1x128xi32, #tpu.memory_space<hbm>>
        tpu.enqueue_dma source(%dma_start3A_1146 : memref<1x128xi32, #tpu.memory_space<hbm>>) target(%dma_start3A_1144 : memref<1x128xi32, #tpu.memory_space<vmem>>) target_semaphore(%arg11 : memref<!tpu.dma_semaphore, #tpu.memory_space<semaphore_mem>>)
      } else {
      }
      %dma_wait3A_918 = arith.constant 1 : i32
      %dma_wait3A_919 = arith.constant 0 : i32
      %dma_wait3A_920 = arith.constant 0 : i32
      %dma_wait3A_921 = tpu.memref_slice %arg9[%dma_wait3A_918, %dma_wait3A_919, %dma_wait3A_920] : memref<4x128x128xf32, #tpu.memory_space<vmem>> -> memref<1x128x128xf32, #tpu.memory_space<vmem>>
      %dma_wait3A_922 = tpu.memref_squeeze %dma_wait3A_921 : memref<1x128x128xf32, #tpu.memory_space<vmem>> -> memref<128x128xf32, #tpu.memory_space<vmem>>
      %dma_wait3A_923 = arith.constant 0 : i32
      %dma_wait3A_924 = arith.constant 0 : i32
      %dma_wait3A_925 = tpu.memref_slice %arg6[%dma_wait3A_923, %dma_wait3A_924] : memref<819200x128xf32, #tpu.memory_space<hbm>> -> memref<128x128xf32, #tpu.memory_space<hbm>>
      %dma_wait3A_926 = arith.constant 0 : i32
      %dma_wait3A_927 = arith.constant 0 : i32
      %dma_wait3A_928 = tpu.memref_slice %arg9[%dma_wait3A_918, %dma_wait3A_926, %dma_wait3A_927] : memref<4x128x128xf32, #tpu.memory_space<vmem>> -> memref<1x128x128xf32, #tpu.memory_space<vmem>>
      %dma_wait3A_929 = tpu.memref_squeeze %dma_wait3A_928 : memref<1x128x128xf32, #tpu.memory_space<vmem>> -> memref<128x128xf32, #tpu.memory_space<vmem>>
      %dma_wait3A_930 = arith.constant 0 : i32
      %dma_wait3A_931 = arith.constant 0 : i32
      %dma_wait3A_932 = tpu.memref_slice %arg6[%dma_wait3A_930, %dma_wait3A_931] : memref<819200x128xf32, #tpu.memory_space<hbm>> -> memref<128x128xf32, #tpu.memory_space<hbm>>
      tpu.wait_dma2 semaphore(%arg12 : memref<!tpu.dma_semaphore, #tpu.memory_space<semaphore_mem>>) src(%dma_wait3A_932 : memref<128x128xf32, #tpu.memory_space<hbm>>) dst(%dma_wait3A_929 : memref<128x128xf32, #tpu.memory_space<vmem>>)
      %dma_start3A_933 = arith.constant 1 : i32
      %dma_start3A_934 = arith.constant 0 : i32
      %dma_start3A_935 = arith.constant 1 : i32
      %dma_start3A_936 = arith.constant 0 : i32
      %dma_start3A_937 = arith.constant 0 : i32
      %dma_start3A_938 = tpu.memref_slice %arg9[%dma_start3A_935, %dma_start3A_936, %dma_start3A_937] : memref<4x128x128xf32, #tpu.memory_space<vmem>> -> memref<1x128x128xf32, #tpu.memory_space<vmem>>
      %dma_start3A_939 = tpu.memref_squeeze %dma_start3A_938 : memref<1x128x128xf32, #tpu.memory_space<vmem>> -> memref<128x128xf32, #tpu.memory_space<vmem>>
      %dma_start3A_940 = arith.constant 0 : i32
      %dma_start3A_941 = arith.constant 0 : i32
      %dma_start3A_942 = tpu.memref_slice %dma_start3A_939[%dma_start3A_940, %dma_start3A_941] : memref<128x128xf32, #tpu.memory_space<vmem>> -> memref<128x128xf32, #tpu.memory_space<vmem>>
      %dma_start3A_943 = arith.constant 0 : i32
      %dma_start3A_944 = tpu.memref_slice %arg8[%dma_start3A_933, %dma_start3A_934, %dma_start3A_943] : memref<4x1x128xi32, #tpu.memory_space<vmem>> -> memref<1x1x128xi32, #tpu.memory_space<vmem>>
      %dma_start3A_945 = tpu.memref_squeeze %dma_start3A_944 : memref<1x1x128xi32, #tpu.memory_space<vmem>> -> memref<128xi32, #tpu.memory_space<vmem>>
      %dma_start3A_946 = arith.constant 0 : i32
      %dma_start3A_947 = arith.constant 0 : i32
      %dma_start3A_948 = tpu.memref_slice %arg10[%dma_start3A_946, %dma_start3A_947] : memref<200x128xf32, #tpu.memory_space<vmem_shared>> -> memref<200x128xf32, #tpu.memory_space<vmem_shared>>
      tpu.enqueue_indirect_dma source(%dma_start3A_948 : memref<200x128xf32, #tpu.memory_space<vmem_shared>>) target(%dma_start3A_942 : memref<128x128xf32, #tpu.memory_space<vmem>>) offsets(%dma_start3A_945 : memref<128xi32, #tpu.memory_space<vmem>>) semaphore(%arg13 : memref<!tpu.dma_semaphore, #tpu.memory_space<semaphore_mem>>) {add = true}
      %dma_wait3A_949 = arith.constant 0 : i32
      %dma_wait3A_950 = arith.constant 0 : i32
      %dma_wait3A_951 = arith.constant 0 : i32
      %dma_wait3A_952 = tpu.memref_slice %arg9[%dma_wait3A_949, %dma_wait3A_950, %dma_wait3A_951] : memref<4x128x128xf32, #tpu.memory_space<vmem>> -> memref<1x128x128xf32, #tpu.memory_space<vmem>>
      %dma_wait3A_953 = tpu.memref_squeeze %dma_wait3A_952 : memref<1x128x128xf32, #tpu.memory_space<vmem>> -> memref<128x128xf32, #tpu.memory_space<vmem>>
      %dma_wait3A_954 = arith.constant 0 : i32
      %dma_wait3A_955 = arith.constant 0 : i32
      %dma_wait3A_956 = tpu.memref_slice %arg6[%dma_wait3A_954, %dma_wait3A_955] : memref<819200x128xf32, #tpu.memory_space<hbm>> -> memref<128x128xf32, #tpu.memory_space<hbm>>
      %dma_wait3A_957 = arith.constant 0 : i32
      %dma_wait3A_958 = arith.constant 0 : i32
      %dma_wait3A_959 = tpu.memref_slice %arg9[%dma_wait3A_949, %dma_wait3A_957, %dma_wait3A_958] : memref<4x128x128xf32, #tpu.memory_space<vmem>> -> memref<1x128x128xf32, #tpu.memory_space<vmem>>
      %dma_wait3A_960 = tpu.memref_squeeze %dma_wait3A_959 : memref<1x128x128xf32, #tpu.memory_space<vmem>> -> memref<128x128xf32, #tpu.memory_space<vmem>>
      %dma_wait3A_961 = arith.constant 0 : i32
      %dma_wait3A_962 = arith.constant 0 : i32
      %dma_wait3A_963 = tpu.memref_slice %arg6[%dma_wait3A_961, %dma_wait3A_962] : memref<819200x128xf32, #tpu.memory_space<hbm>> -> memref<128x128xf32, #tpu.memory_space<hbm>>
      tpu.wait_dma2 semaphore(%arg13 : memref<!tpu.dma_semaphore, #tpu.memory_space<semaphore_mem>>) src(%dma_wait3A_963 : memref<128x128xf32, #tpu.memory_space<hbm>>) dst(%dma_wait3A_960 : memref<128x128xf32, #tpu.memory_space<vmem>>)
      %sub3A_964 = arith.constant 2 : i32
      %sub3A_965 = arith.subi %add3A_851, %sub3A_964 : i32
      %mul3A_966 = arith.constant 128 : i32
      %mul3A_967 = arith.muli %sub3A_965, %mul3A_966 : i32
      %add3A_968 = arith.addi %mul3A_4, %mul3A_967 : i32
      %dma_start3A_969 = arith.constant 0 : i32
      %dma_start3A_970 = arith.constant 0 : i32
      %dma_start3A_971 = arith.constant 0 : i32
      %dma_start3A_972 = tpu.memref_slice %arg9[%dma_start3A_969, %dma_start3A_970, %dma_start3A_971] : memref<4x128x128xf32, #tpu.memory_space<vmem>> -> memref<1x128x128xf32, #tpu.memory_space<vmem>>
      %dma_start3A_973 = tpu.memref_squeeze %dma_start3A_972 : memref<1x128x128xf32, #tpu.memory_space<vmem>> -> memref<128x128xf32, #tpu.memory_space<vmem>>
      %dma_start3A_974 = arith.constant 0 : i32
      %dma_start3A_975 = tpu.memref_slice %arg6[%add3A_968, %dma_start3A_974] : memref<819200x128xf32, #tpu.memory_space<hbm>> -> memref<128x128xf32, #tpu.memory_space<hbm>>
      %dma_start3A_976 = arith.constant 0 : i32
      %dma_start3A_977 = tpu.memref_slice %arg6[%add3A_968, %dma_start3A_976] : memref<819200x128xf32, #tpu.memory_space<hbm>> -> memref<128x128xf32, #tpu.memory_space<hbm>>
      %dma_start3A_978 = arith.constant 0 : i32
      %dma_start3A_979 = arith.constant 0 : i32
      %dma_start3A_980 = tpu.memref_slice %arg9[%dma_start3A_969, %dma_start3A_978, %dma_start3A_979] : memref<4x128x128xf32, #tpu.memory_space<vmem>> -> memref<1x128x128xf32, #tpu.memory_space<vmem>>
      %dma_start3A_981 = tpu.memref_squeeze %dma_start3A_980 : memref<1x128x128xf32, #tpu.memory_space<vmem>> -> memref<128x128xf32, #tpu.memory_space<vmem>>
      tpu.enqueue_dma source(%dma_start3A_981 : memref<128x128xf32, #tpu.memory_space<vmem>>) target(%dma_start3A_977 : memref<128x128xf32, #tpu.memory_space<hbm>>) target_semaphore(%arg14 : memref<!tpu.dma_semaphore, #tpu.memory_space<semaphore_mem>>)
      %mul3A_982 = arith.constant 4 : i32
      %mul3A_983 = arith.muli %scan3A_581, %mul3A_982 : i32
      %add3A_984 = arith.constant 3 : i32
      %add3A_985 = arith.addi %mul3A_983, %add3A_984 : i32
      %dma_wait3A_986 = arith.constant 3 : i32
      %dma_wait3A_987 = arith.constant 0 : i32
      %dma_wait3A_988 = arith.constant 0 : i32
      %dma_wait3A_989 = tpu.memref_slice %arg9[%dma_wait3A_986, %dma_wait3A_987, %dma_wait3A_988] : memref<4x128x128xf32, #tpu.memory_space<vmem>> -> memref<1x128x128xf32, #tpu.memory_space<vmem>>
      %dma_wait3A_990 = tpu.memref_squeeze %dma_wait3A_989 : memref<1x128x128xf32, #tpu.memory_space<vmem>> -> memref<128x128xf32, #tpu.memory_space<vmem>>
      %dma_wait3A_991 = arith.constant 0 : i32
      %dma_wait3A_992 = arith.constant 0 : i32
      %dma_wait3A_993 = tpu.memref_slice %arg6[%dma_wait3A_991, %dma_wait3A_992] : memref<819200x128xf32, #tpu.memory_space<hbm>> -> memref<128x128xf32, #tpu.memory_space<hbm>>
      %dma_wait3A_994 = arith.constant 0 : i32
      %dma_wait3A_995 = arith.constant 0 : i32
      %dma_wait3A_996 = tpu.memref_slice %arg6[%dma_wait3A_994, %dma_wait3A_995] : memref<819200x128xf32, #tpu.memory_space<hbm>> -> memref<128x128xf32, #tpu.memory_space<hbm>>
      %dma_wait3A_997 = arith.constant 0 : i32
      %dma_wait3A_998 = arith.constant 0 : i32
      %dma_wait3A_999 = tpu.memref_slice %arg9[%dma_wait3A_986, %dma_wait3A_997, %dma_wait3A_998] : memref<4x128x128xf32, #tpu.memory_space<vmem>> -> memref<1x128x128xf32, #tpu.memory_space<vmem>>
      %dma_wait3A_1000 = tpu.memref_squeeze %dma_wait3A_999 : memref<1x128x128xf32, #tpu.memory_space<vmem>> -> memref<128x128xf32, #tpu.memory_space<vmem>>
      tpu.wait_dma2 semaphore(%arg14 : memref<!tpu.dma_semaphore, #tpu.memory_space<semaphore_mem>>) src(%dma_wait3A_1000 : memref<128x128xf32, #tpu.memory_space<vmem>>) dst(%dma_wait3A_996 : memref<128x128xf32, #tpu.memory_space<hbm>>)
      %dma_wait3A_1001 = arith.constant 3 : i32
      %dma_wait3A_1002 = arith.constant 0 : i32
      %dma_wait3A_1003 = arith.constant 0 : i32
      %dma_wait3A_1004 = tpu.memref_slice %arg7[%dma_wait3A_1001, %dma_wait3A_1002, %dma_wait3A_1003] : memref<4x1x128xi32, #tpu.memory_space<vmem>> -> memref<1x1x128xi32, #tpu.memory_space<vmem>>
      %dma_wait3A_1005 = tpu.memref_squeeze %dma_wait3A_1004 : memref<1x1x128xi32, #tpu.memory_space<vmem>> -> memref<1x128xi32, #tpu.memory_space<vmem>>
      %dma_wait3A_1006 = arith.constant 0 : i32
      %dma_wait3A_1007 = arith.constant 0 : i32
      %dma_wait3A_1008 = tpu.memref_slice %arg2[%dma_wait3A_1006, %dma_wait3A_1007] : memref<6400x128xi32, #tpu.memory_space<hbm>> -> memref<1x128xi32, #tpu.memory_space<hbm>>
      %dma_wait3A_1009 = arith.constant 0 : i32
      %dma_wait3A_1010 = arith.constant 0 : i32
      %dma_wait3A_1011 = tpu.memref_slice %arg7[%dma_wait3A_1001, %dma_wait3A_1009, %dma_wait3A_1010] : memref<4x1x128xi32, #tpu.memory_space<vmem>> -> memref<1x1x128xi32, #tpu.memory_space<vmem>>
      %dma_wait3A_1012 = tpu.memref_squeeze %dma_wait3A_1011 : memref<1x1x128xi32, #tpu.memory_space<vmem>> -> memref<1x128xi32, #tpu.memory_space<vmem>>
      %dma_wait3A_1013 = arith.constant 0 : i32
      %dma_wait3A_1014 = arith.constant 0 : i32
      %dma_wait3A_1015 = tpu.memref_slice %arg2[%dma_wait3A_1013, %dma_wait3A_1014] : memref<6400x128xi32, #tpu.memory_space<hbm>> -> memref<1x128xi32, #tpu.memory_space<hbm>>
      tpu.wait_dma2 semaphore(%arg11 : memref<!tpu.dma_semaphore, #tpu.memory_space<semaphore_mem>>) src(%dma_wait3A_1015 : memref<1x128xi32, #tpu.memory_space<hbm>>) dst(%dma_wait3A_1012 : memref<1x128xi32, #tpu.memory_space<vmem>>)
      %dma_wait3A_1016 = arith.constant 3 : i32
      %dma_wait3A_1017 = arith.constant 0 : i32
      %dma_wait3A_1018 = arith.constant 0 : i32
      %dma_wait3A_1019 = tpu.memref_slice %arg8[%dma_wait3A_1016, %dma_wait3A_1017, %dma_wait3A_1018] : memref<4x1x128xi32, #tpu.memory_space<vmem>> -> memref<1x1x128xi32, #tpu.memory_space<vmem>>
      %dma_wait3A_1020 = tpu.memref_squeeze %dma_wait3A_1019 : memref<1x1x128xi32, #tpu.memory_space<vmem>> -> memref<1x128xi32, #tpu.memory_space<vmem>>
      %dma_wait3A_1021 = arith.constant 0 : i32
      %dma_wait3A_1022 = arith.constant 0 : i32
      %dma_wait3A_1023 = tpu.memref_slice %arg3[%dma_wait3A_1021, %dma_wait3A_1022] : memref<6400x128xi32, #tpu.memory_space<hbm>> -> memref<1x128xi32, #tpu.memory_space<hbm>>
      %dma_wait3A_1024 = arith.constant 0 : i32
      %dma_wait3A_1025 = arith.constant 0 : i32
      %dma_wait3A_1026 = tpu.memref_slice %arg8[%dma_wait3A_1016, %dma_wait3A_1024, %dma_wait3A_1025] : memref<4x1x128xi32, #tpu.memory_space<vmem>> -> memref<1x1x128xi32, #tpu.memory_space<vmem>>
      %dma_wait3A_1027 = tpu.memref_squeeze %dma_wait3A_1026 : memref<1x1x128xi32, #tpu.memory_space<vmem>> -> memref<1x128xi32, #tpu.memory_space<vmem>>
      %dma_wait3A_1028 = arith.constant 0 : i32
      %dma_wait3A_1029 = arith.constant 0 : i32
      %dma_wait3A_1030 = tpu.memref_slice %arg3[%dma_wait3A_1028, %dma_wait3A_1029] : memref<6400x128xi32, #tpu.memory_space<hbm>> -> memref<1x128xi32, #tpu.memory_space<hbm>>
      tpu.wait_dma2 semaphore(%arg11 : memref<!tpu.dma_semaphore, #tpu.memory_space<semaphore_mem>>) src(%dma_wait3A_1030 : memref<1x128xi32, #tpu.memory_space<hbm>>) dst(%dma_wait3A_1027 : memref<1x128xi32, #tpu.memory_space<vmem>>)
      %dma_start3A_1031 = arith.constant 3 : i32
      %dma_start3A_1032 = arith.constant 0 : i32
      %dma_start3A_1033 = arith.constant 3 : i32
      %dma_start3A_1034 = arith.constant 0 : i32
      %dma_start3A_1035 = arith.constant 0 : i32
      %dma_start3A_1036 = tpu.memref_slice %arg9[%dma_start3A_1033, %dma_start3A_1034, %dma_start3A_1035] : memref<4x128x128xf32, #tpu.memory_space<vmem>> -> memref<1x128x128xf32, #tpu.memory_space<vmem>>
      %dma_start3A_1037 = tpu.memref_squeeze %dma_start3A_1036 : memref<1x128x128xf32, #tpu.memory_space<vmem>> -> memref<128x128xf32, #tpu.memory_space<vmem>>
      %dma_start3A_1038 = arith.constant 0 : i32
      %dma_start3A_1039 = arith.constant 0 : i32
      %dma_start3A_1040 = tpu.memref_slice %dma_start3A_1037[%dma_start3A_1038, %dma_start3A_1039] : memref<128x128xf32, #tpu.memory_space<vmem>> -> memref<128x128xf32, #tpu.memory_space<vmem>>
      %dma_start3A_1041 = arith.constant 0 : i32
      %dma_start3A_1042 = tpu.memref_slice %arg7[%dma_start3A_1031, %dma_start3A_1032, %dma_start3A_1041] : memref<4x1x128xi32, #tpu.memory_space<vmem>> -> memref<1x1x128xi32, #tpu.memory_space<vmem>>
      %dma_start3A_1043 = tpu.memref_squeeze %dma_start3A_1042 : memref<1x1x128xi32, #tpu.memory_space<vmem>> -> memref<128xi32, #tpu.memory_space<vmem>>
      %dma_start3A_1044 = arith.constant 0 : i32
      %dma_start3A_1045 = arith.constant 0 : i32
      %dma_start3A_1046 = tpu.memref_slice %arg4[%dma_start3A_1044, %dma_start3A_1045] : memref<1000000x128xf32, #tpu.memory_space<hbm>> -> memref<1000000x128xf32, #tpu.memory_space<hbm>>
      tpu.enqueue_indirect_dma source(%dma_start3A_1046 : memref<1000000x128xf32, #tpu.memory_space<hbm>>) target(%dma_start3A_1040 : memref<128x128xf32, #tpu.memory_space<vmem>>) offsets(%dma_start3A_1043 : memref<128xi32, #tpu.memory_space<vmem>>) semaphore(%arg12 : memref<!tpu.dma_semaphore, #tpu.memory_space<semaphore_mem>>)
      %lt3A_1047 = arith.constant 199 : i32
      %lt3A_1048 = arith.cmpi slt, %add3A_985, %lt3A_1047 : i32
      %convert_element_type3A_1049 = arith.extui %lt3A_1048 : i1 to i32
      %cond3A_1050 = arith.constant 0 : i32
      %cond3A_1051 = arith.cmpi ne, %convert_element_type3A_1049, %cond3A_1050 : i32
      scf.if %cond3A_1051 {
        %add3A_1116 = arith.constant 1 : i32
        %add3A_1117 = arith.addi %add3A_985, %add3A_1116 : i32
        %mul3A_1118 = arith.constant 1 : i32
        %mul3A_1119 = arith.muli %add3A_1117, %mul3A_1118 : i32
        %add3A_1120 = arith.addi %mul3A_2, %mul3A_1119 : i32
        %dma_start3A_1121 = arith.constant 0 : i32
        %dma_start3A_1122 = arith.constant 0 : i32
        %dma_start3A_1123 = arith.constant 0 : i32
        %dma_start3A_1124 = tpu.memref_slice %arg7[%dma_start3A_1121, %dma_start3A_1122, %dma_start3A_1123] : memref<4x1x128xi32, #tpu.memory_space<vmem>> -> memref<1x1x128xi32, #tpu.memory_space<vmem>>
        %dma_start3A_1125 = tpu.memref_squeeze %dma_start3A_1124 : memref<1x1x128xi32, #tpu.memory_space<vmem>> -> memref<1x128xi32, #tpu.memory_space<vmem>>
        %dma_start3A_1126 = arith.constant 0 : i32
        %dma_start3A_1127 = tpu.memref_slice %arg2[%add3A_1120, %dma_start3A_1126] : memref<6400x128xi32, #tpu.memory_space<hbm>> -> memref<1x128xi32, #tpu.memory_space<hbm>>
        %dma_start3A_1128 = arith.constant 0 : i32
        %dma_start3A_1129 = arith.constant 0 : i32
        %dma_start3A_1130 = tpu.memref_slice %arg7[%dma_start3A_1121, %dma_start3A_1128, %dma_start3A_1129] : memref<4x1x128xi32, #tpu.memory_space<vmem>> -> memref<1x1x128xi32, #tpu.memory_space<vmem>>
        %dma_start3A_1131 = tpu.memref_squeeze %dma_start3A_1130 : memref<1x1x128xi32, #tpu.memory_space<vmem>> -> memref<1x128xi32, #tpu.memory_space<vmem>>
        %dma_start3A_1132 = arith.constant 0 : i32
        %dma_start3A_1133 = tpu.memref_slice %arg2[%add3A_1120, %dma_start3A_1132] : memref<6400x128xi32, #tpu.memory_space<hbm>> -> memref<1x128xi32, #tpu.memory_space<hbm>>
        tpu.enqueue_dma source(%dma_start3A_1133 : memref<1x128xi32, #tpu.memory_space<hbm>>) target(%dma_start3A_1131 : memref<1x128xi32, #tpu.memory_space<vmem>>) target_semaphore(%arg11 : memref<!tpu.dma_semaphore, #tpu.memory_space<semaphore_mem>>)
        %dma_start3A_1134 = arith.constant 0 : i32
        %dma_start3A_1135 = arith.constant 0 : i32
        %dma_start3A_1136 = arith.constant 0 : i32
        %dma_start3A_1137 = tpu.memref_slice %arg8[%dma_start3A_1134, %dma_start3A_1135, %dma_start3A_1136] : memref<4x1x128xi32, #tpu.memory_space<vmem>> -> memref<1x1x128xi32, #tpu.memory_space<vmem>>
        %dma_start3A_1138 = tpu.memref_squeeze %dma_start3A_1137 : memref<1x1x128xi32, #tpu.memory_space<vmem>> -> memref<1x128xi32, #tpu.memory_space<vmem>>
        %dma_start3A_1139 = arith.constant 0 : i32
        %dma_start3A_1140 = tpu.memref_slice %arg3[%add3A_1120, %dma_start3A_1139] : memref<6400x128xi32, #tpu.memory_space<hbm>> -> memref<1x128xi32, #tpu.memory_space<hbm>>
        %dma_start3A_1141 = arith.constant 0 : i32
        %dma_start3A_1142 = arith.constant 0 : i32
        %dma_start3A_1143 = tpu.memref_slice %arg8[%dma_start3A_1134, %dma_start3A_1141, %dma_start3A_1142] : memref<4x1x128xi32, #tpu.memory_space<vmem>> -> memref<1x1x128xi32, #tpu.memory_space<vmem>>
        %dma_start3A_1144 = tpu.memref_squeeze %dma_start3A_1143 : memref<1x1x128xi32, #tpu.memory_space<vmem>> -> memref<1x128xi32, #tpu.memory_space<vmem>>
        %dma_start3A_1145 = arith.constant 0 : i32
        %dma_start3A_1146 = tpu.memref_slice %arg3[%add3A_1120, %dma_start3A_1145] : memref<6400x128xi32, #tpu.memory_space<hbm>> -> memref<1x128xi32, #tpu.memory_space<hbm>>
        tpu.enqueue_dma source(%dma_start3A_1146 : memref<1x128xi32, #tpu.memory_space<hbm>>) target(%dma_start3A_1144 : memref<1x128xi32, #tpu.memory_space<vmem>>) target_semaphore(%arg11 : memref<!tpu.dma_semaphore, #tpu.memory_space<semaphore_mem>>)
      } else {
      }
      %dma_wait3A_1052 = arith.constant 2 : i32
      %dma_wait3A_1053 = arith.constant 0 : i32
      %dma_wait3A_1054 = arith.constant 0 : i32
      %dma_wait3A_1055 = tpu.memref_slice %arg9[%dma_wait3A_1052, %dma_wait3A_1053, %dma_wait3A_1054] : memref<4x128x128xf32, #tpu.memory_space<vmem>> -> memref<1x128x128xf32, #tpu.memory_space<vmem>>
      %dma_wait3A_1056 = tpu.memref_squeeze %dma_wait3A_1055 : memref<1x128x128xf32, #tpu.memory_space<vmem>> -> memref<128x128xf32, #tpu.memory_space<vmem>>
      %dma_wait3A_1057 = arith.constant 0 : i32
      %dma_wait3A_1058 = arith.constant 0 : i32
      %dma_wait3A_1059 = tpu.memref_slice %arg6[%dma_wait3A_1057, %dma_wait3A_1058] : memref<819200x128xf32, #tpu.memory_space<hbm>> -> memref<128x128xf32, #tpu.memory_space<hbm>>
      %dma_wait3A_1060 = arith.constant 0 : i32
      %dma_wait3A_1061 = arith.constant 0 : i32
      %dma_wait3A_1062 = tpu.memref_slice %arg9[%dma_wait3A_1052, %dma_wait3A_1060, %dma_wait3A_1061] : memref<4x128x128xf32, #tpu.memory_space<vmem>> -> memref<1x128x128xf32, #tpu.memory_space<vmem>>
      %dma_wait3A_1063 = tpu.memref_squeeze %dma_wait3A_1062 : memref<1x128x128xf32, #tpu.memory_space<vmem>> -> memref<128x128xf32, #tpu.memory_space<vmem>>
      %dma_wait3A_1064 = arith.constant 0 : i32
      %dma_wait3A_1065 = arith.constant 0 : i32
      %dma_wait3A_1066 = tpu.memref_slice %arg6[%dma_wait3A_1064, %dma_wait3A_1065] : memref<819200x128xf32, #tpu.memory_space<hbm>> -> memref<128x128xf32, #tpu.memory_space<hbm>>
      tpu.wait_dma2 semaphore(%arg12 : memref<!tpu.dma_semaphore, #tpu.memory_space<semaphore_mem>>) src(%dma_wait3A_1066 : memref<128x128xf32, #tpu.memory_space<hbm>>) dst(%dma_wait3A_1063 : memref<128x128xf32, #tpu.memory_space<vmem>>)
      %dma_start3A_1067 = arith.constant 2 : i32
      %dma_start3A_1068 = arith.constant 0 : i32
      %dma_start3A_1069 = arith.constant 2 : i32
      %dma_start3A_1070 = arith.constant 0 : i32
      %dma_start3A_1071 = arith.constant 0 : i32
      %dma_start3A_1072 = tpu.memref_slice %arg9[%dma_start3A_1069, %dma_start3A_1070, %dma_start3A_1071] : memref<4x128x128xf32, #tpu.memory_space<vmem>> -> memref<1x128x128xf32, #tpu.memory_space<vmem>>
      %dma_start3A_1073 = tpu.memref_squeeze %dma_start3A_1072 : memref<1x128x128xf32, #tpu.memory_space<vmem>> -> memref<128x128xf32, #tpu.memory_space<vmem>>
      %dma_start3A_1074 = arith.constant 0 : i32
      %dma_start3A_1075 = arith.constant 0 : i32
      %dma_start3A_1076 = tpu.memref_slice %dma_start3A_1073[%dma_start3A_1074, %dma_start3A_1075] : memref<128x128xf32, #tpu.memory_space<vmem>> -> memref<128x128xf32, #tpu.memory_space<vmem>>
      %dma_start3A_1077 = arith.constant 0 : i32
      %dma_start3A_1078 = tpu.memref_slice %arg8[%dma_start3A_1067, %dma_start3A_1068, %dma_start3A_1077] : memref<4x1x128xi32, #tpu.memory_space<vmem>> -> memref<1x1x128xi32, #tpu.memory_space<vmem>>
      %dma_start3A_1079 = tpu.memref_squeeze %dma_start3A_1078 : memref<1x1x128xi32, #tpu.memory_space<vmem>> -> memref<128xi32, #tpu.memory_space<vmem>>
      %dma_start3A_1080 = arith.constant 0 : i32
      %dma_start3A_1081 = arith.constant 0 : i32
      %dma_start3A_1082 = tpu.memref_slice %arg10[%dma_start3A_1080, %dma_start3A_1081] : memref<200x128xf32, #tpu.memory_space<vmem_shared>> -> memref<200x128xf32, #tpu.memory_space<vmem_shared>>
      tpu.enqueue_indirect_dma source(%dma_start3A_1082 : memref<200x128xf32, #tpu.memory_space<vmem_shared>>) target(%dma_start3A_1076 : memref<128x128xf32, #tpu.memory_space<vmem>>) offsets(%dma_start3A_1079 : memref<128xi32, #tpu.memory_space<vmem>>) semaphore(%arg13 : memref<!tpu.dma_semaphore, #tpu.memory_space<semaphore_mem>>) {add = true}
      %dma_wait3A_1083 = arith.constant 1 : i32
      %dma_wait3A_1084 = arith.constant 0 : i32
      %dma_wait3A_1085 = arith.constant 0 : i32
      %dma_wait3A_1086 = tpu.memref_slice %arg9[%dma_wait3A_1083, %dma_wait3A_1084, %dma_wait3A_1085] : memref<4x128x128xf32, #tpu.memory_space<vmem>> -> memref<1x128x128xf32, #tpu.memory_space<vmem>>
      %dma_wait3A_1087 = tpu.memref_squeeze %dma_wait3A_1086 : memref<1x128x128xf32, #tpu.memory_space<vmem>> -> memref<128x128xf32, #tpu.memory_space<vmem>>
      %dma_wait3A_1088 = arith.constant 0 : i32
      %dma_wait3A_1089 = arith.constant 0 : i32
      %dma_wait3A_1090 = tpu.memref_slice %arg6[%dma_wait3A_1088, %dma_wait3A_1089] : memref<819200x128xf32, #tpu.memory_space<hbm>> -> memref<128x128xf32, #tpu.memory_space<hbm>>
      %dma_wait3A_1091 = arith.constant 0 : i32
      %dma_wait3A_1092 = arith.constant 0 : i32
      %dma_wait3A_1093 = tpu.memref_slice %arg9[%dma_wait3A_1083, %dma_wait3A_1091, %dma_wait3A_1092] : memref<4x128x128xf32, #tpu.memory_space<vmem>> -> memref<1x128x128xf32, #tpu.memory_space<vmem>>
      %dma_wait3A_1094 = tpu.memref_squeeze %dma_wait3A_1093 : memref<1x128x128xf32, #tpu.memory_space<vmem>> -> memref<128x128xf32, #tpu.memory_space<vmem>>
      %dma_wait3A_1095 = arith.constant 0 : i32
      %dma_wait3A_1096 = arith.constant 0 : i32
      %dma_wait3A_1097 = tpu.memref_slice %arg6[%dma_wait3A_1095, %dma_wait3A_1096] : memref<819200x128xf32, #tpu.memory_space<hbm>> -> memref<128x128xf32, #tpu.memory_space<hbm>>
      tpu.wait_dma2 semaphore(%arg13 : memref<!tpu.dma_semaphore, #tpu.memory_space<semaphore_mem>>) src(%dma_wait3A_1097 : memref<128x128xf32, #tpu.memory_space<hbm>>) dst(%dma_wait3A_1094 : memref<128x128xf32, #tpu.memory_space<vmem>>)
      %sub3A_1098 = arith.constant 2 : i32
      %sub3A_1099 = arith.subi %add3A_985, %sub3A_1098 : i32
      %mul3A_1100 = arith.constant 128 : i32
      %mul3A_1101 = arith.muli %sub3A_1099, %mul3A_1100 : i32
      %add3A_1102 = arith.addi %mul3A_4, %mul3A_1101 : i32
      %dma_start3A_1103 = arith.constant 1 : i32
      %dma_start3A_1104 = arith.constant 0 : i32
      %dma_start3A_1105 = arith.constant 0 : i32
      %dma_start3A_1106 = tpu.memref_slice %arg9[%dma_start3A_1103, %dma_start3A_1104, %dma_start3A_1105] : memref<4x128x128xf32, #tpu.memory_space<vmem>> -> memref<1x128x128xf32, #tpu.memory_space<vmem>>
      %dma_start3A_1107 = tpu.memref_squeeze %dma_start3A_1106 : memref<1x128x128xf32, #tpu.memory_space<vmem>> -> memref<128x128xf32, #tpu.memory_space<vmem>>
      %dma_start3A_1108 = arith.constant 0 : i32
      %dma_start3A_1109 = tpu.memref_slice %arg6[%add3A_1102, %dma_start3A_1108] : memref<819200x128xf32, #tpu.memory_space<hbm>> -> memref<128x128xf32, #tpu.memory_space<hbm>>
      %dma_start3A_1110 = arith.constant 0 : i32
      %dma_start3A_1111 = tpu.memref_slice %arg6[%add3A_1102, %dma_start3A_1110] : memref<819200x128xf32, #tpu.memory_space<hbm>> -> memref<128x128xf32, #tpu.memory_space<hbm>>
      %dma_start3A_1112 = arith.constant 0 : i32
      %dma_start3A_1113 = arith.constant 0 : i32
      %dma_start3A_1114 = tpu.memref_slice %arg9[%dma_start3A_1103, %dma_start3A_1112, %dma_start3A_1113] : memref<4x128x128xf32, #tpu.memory_space<vmem>> -> memref<1x128x128xf32, #tpu.memory_space<vmem>>
      %dma_start3A_1115 = tpu.memref_squeeze %dma_start3A_1114 : memref<1x128x128xf32, #tpu.memory_space<vmem>> -> memref<128x128xf32, #tpu.memory_space<vmem>>
      tpu.enqueue_dma source(%dma_start3A_1115 : memref<128x128xf32, #tpu.memory_space<vmem>>) target(%dma_start3A_1111 : memref<128x128xf32, #tpu.memory_space<hbm>>) target_semaphore(%arg14 : memref<!tpu.dma_semaphore, #tpu.memory_space<semaphore_mem>>)
    }
    %scan3A_429 = arith.constant 49 : i32
    %dma_wait3A_430 = arith.constant 3 : i32
    %dma_wait3A_431 = arith.constant 0 : i32
    %dma_wait3A_432 = arith.constant 0 : i32
    %dma_wait3A_433 = tpu.memref_slice %arg9[%dma_wait3A_430, %dma_wait3A_431, %dma_wait3A_432] : memref<4x128x128xf32, #tpu.memory_space<vmem>> -> memref<1x128x128xf32, #tpu.memory_space<vmem>>
    %dma_wait3A_434 = tpu.memref_squeeze %dma_wait3A_433 : memref<1x128x128xf32, #tpu.memory_space<vmem>> -> memref<128x128xf32, #tpu.memory_space<vmem>>
    %dma_wait3A_435 = arith.constant 0 : i32
    %dma_wait3A_436 = arith.constant 0 : i32
    %dma_wait3A_437 = tpu.memref_slice %arg6[%dma_wait3A_435, %dma_wait3A_436] : memref<819200x128xf32, #tpu.memory_space<hbm>> -> memref<128x128xf32, #tpu.memory_space<hbm>>
    %dma_wait3A_438 = arith.constant 0 : i32
    %dma_wait3A_439 = arith.constant 0 : i32
    %dma_wait3A_440 = tpu.memref_slice %arg9[%dma_wait3A_430, %dma_wait3A_438, %dma_wait3A_439] : memref<4x128x128xf32, #tpu.memory_space<vmem>> -> memref<1x128x128xf32, #tpu.memory_space<vmem>>
    %dma_wait3A_441 = tpu.memref_squeeze %dma_wait3A_440 : memref<1x128x128xf32, #tpu.memory_space<vmem>> -> memref<128x128xf32, #tpu.memory_space<vmem>>
    %dma_wait3A_442 = arith.constant 0 : i32
    %dma_wait3A_443 = arith.constant 0 : i32
    %dma_wait3A_444 = tpu.memref_slice %arg6[%dma_wait3A_442, %dma_wait3A_443] : memref<819200x128xf32, #tpu.memory_space<hbm>> -> memref<128x128xf32, #tpu.memory_space<hbm>>
    tpu.wait_dma2 semaphore(%arg12 : memref<!tpu.dma_semaphore, #tpu.memory_space<semaphore_mem>>) src(%dma_wait3A_444 : memref<128x128xf32, #tpu.memory_space<hbm>>) dst(%dma_wait3A_441 : memref<128x128xf32, #tpu.memory_space<vmem>>)
    %dma_start3A_445 = arith.constant 3 : i32
    %dma_start3A_446 = arith.constant 0 : i32
    %dma_start3A_447 = arith.constant 3 : i32
    %dma_start3A_448 = arith.constant 0 : i32
    %dma_start3A_449 = arith.constant 0 : i32
    %dma_start3A_450 = tpu.memref_slice %arg9[%dma_start3A_447, %dma_start3A_448, %dma_start3A_449] : memref<4x128x128xf32, #tpu.memory_space<vmem>> -> memref<1x128x128xf32, #tpu.memory_space<vmem>>
    %dma_start3A_451 = tpu.memref_squeeze %dma_start3A_450 : memref<1x128x128xf32, #tpu.memory_space<vmem>> -> memref<128x128xf32, #tpu.memory_space<vmem>>
    %dma_start3A_452 = arith.constant 0 : i32
    %dma_start3A_453 = arith.constant 0 : i32
    %dma_start3A_454 = tpu.memref_slice %dma_start3A_451[%dma_start3A_452, %dma_start3A_453] : memref<128x128xf32, #tpu.memory_space<vmem>> -> memref<128x128xf32, #tpu.memory_space<vmem>>
    %dma_start3A_455 = arith.constant 0 : i32
    %dma_start3A_456 = tpu.memref_slice %arg8[%dma_start3A_445, %dma_start3A_446, %dma_start3A_455] : memref<4x1x128xi32, #tpu.memory_space<vmem>> -> memref<1x1x128xi32, #tpu.memory_space<vmem>>
    %dma_start3A_457 = tpu.memref_squeeze %dma_start3A_456 : memref<1x1x128xi32, #tpu.memory_space<vmem>> -> memref<128xi32, #tpu.memory_space<vmem>>
    %dma_start3A_458 = arith.constant 0 : i32
    %dma_start3A_459 = arith.constant 0 : i32
    %dma_start3A_460 = tpu.memref_slice %arg10[%dma_start3A_458, %dma_start3A_459] : memref<200x128xf32, #tpu.memory_space<vmem_shared>> -> memref<200x128xf32, #tpu.memory_space<vmem_shared>>
    tpu.enqueue_indirect_dma source(%dma_start3A_460 : memref<200x128xf32, #tpu.memory_space<vmem_shared>>) target(%dma_start3A_454 : memref<128x128xf32, #tpu.memory_space<vmem>>) offsets(%dma_start3A_457 : memref<128xi32, #tpu.memory_space<vmem>>) semaphore(%arg13 : memref<!tpu.dma_semaphore, #tpu.memory_space<semaphore_mem>>) {add = true}
    %dma_wait3A_461 = arith.constant 2 : i32
    %dma_wait3A_462 = arith.constant 0 : i32
    %dma_wait3A_463 = arith.constant 0 : i32
    %dma_wait3A_464 = tpu.memref_slice %arg9[%dma_wait3A_461, %dma_wait3A_462, %dma_wait3A_463] : memref<4x128x128xf32, #tpu.memory_space<vmem>> -> memref<1x128x128xf32, #tpu.memory_space<vmem>>
    %dma_wait3A_465 = tpu.memref_squeeze %dma_wait3A_464 : memref<1x128x128xf32, #tpu.memory_space<vmem>> -> memref<128x128xf32, #tpu.memory_space<vmem>>
    %dma_wait3A_466 = arith.constant 0 : i32
    %dma_wait3A_467 = arith.constant 0 : i32
    %dma_wait3A_468 = tpu.memref_slice %arg6[%dma_wait3A_466, %dma_wait3A_467] : memref<819200x128xf32, #tpu.memory_space<hbm>> -> memref<128x128xf32, #tpu.memory_space<hbm>>
    %dma_wait3A_469 = arith.constant 0 : i32
    %dma_wait3A_470 = arith.constant 0 : i32
    %dma_wait3A_471 = tpu.memref_slice %arg9[%dma_wait3A_461, %dma_wait3A_469, %dma_wait3A_470] : memref<4x128x128xf32, #tpu.memory_space<vmem>> -> memref<1x128x128xf32, #tpu.memory_space<vmem>>
    %dma_wait3A_472 = tpu.memref_squeeze %dma_wait3A_471 : memref<1x128x128xf32, #tpu.memory_space<vmem>> -> memref<128x128xf32, #tpu.memory_space<vmem>>
    %dma_wait3A_473 = arith.constant 0 : i32
    %dma_wait3A_474 = arith.constant 0 : i32
    %dma_wait3A_475 = tpu.memref_slice %arg6[%dma_wait3A_473, %dma_wait3A_474] : memref<819200x128xf32, #tpu.memory_space<hbm>> -> memref<128x128xf32, #tpu.memory_space<hbm>>
    tpu.wait_dma2 semaphore(%arg13 : memref<!tpu.dma_semaphore, #tpu.memory_space<semaphore_mem>>) src(%dma_wait3A_475 : memref<128x128xf32, #tpu.memory_space<hbm>>) dst(%dma_wait3A_472 : memref<128x128xf32, #tpu.memory_space<vmem>>)
    %add3A_476 = arith.constant 25344 : i32
    %add3A_477 = arith.addi %mul3A_4, %add3A_476 : i32
    %dma_start3A_478 = arith.constant 2 : i32
    %dma_start3A_479 = arith.constant 0 : i32
    %dma_start3A_480 = arith.constant 0 : i32
    %dma_start3A_481 = tpu.memref_slice %arg9[%dma_start3A_478, %dma_start3A_479, %dma_start3A_480] : memref<4x128x128xf32, #tpu.memory_space<vmem>> -> memref<1x128x128xf32, #tpu.memory_space<vmem>>
    %dma_start3A_482 = tpu.memref_squeeze %dma_start3A_481 : memref<1x128x128xf32, #tpu.memory_space<vmem>> -> memref<128x128xf32, #tpu.memory_space<vmem>>
    %dma_start3A_483 = arith.constant 0 : i32
    %dma_start3A_484 = tpu.memref_slice %arg6[%add3A_477, %dma_start3A_483] : memref<819200x128xf32, #tpu.memory_space<hbm>> -> memref<128x128xf32, #tpu.memory_space<hbm>>
    %dma_start3A_485 = arith.constant 0 : i32
    %dma_start3A_486 = tpu.memref_slice %arg6[%add3A_477, %dma_start3A_485] : memref<819200x128xf32, #tpu.memory_space<hbm>> -> memref<128x128xf32, #tpu.memory_space<hbm>>
    %dma_start3A_487 = arith.constant 0 : i32
    %dma_start3A_488 = arith.constant 0 : i32
    %dma_start3A_489 = tpu.memref_slice %arg9[%dma_start3A_478, %dma_start3A_487, %dma_start3A_488] : memref<4x128x128xf32, #tpu.memory_space<vmem>> -> memref<1x128x128xf32, #tpu.memory_space<vmem>>
    %dma_start3A_490 = tpu.memref_squeeze %dma_start3A_489 : memref<1x128x128xf32, #tpu.memory_space<vmem>> -> memref<128x128xf32, #tpu.memory_space<vmem>>
    tpu.enqueue_dma source(%dma_start3A_490 : memref<128x128xf32, #tpu.memory_space<vmem>>) target(%dma_start3A_486 : memref<128x128xf32, #tpu.memory_space<hbm>>) target_semaphore(%arg14 : memref<!tpu.dma_semaphore, #tpu.memory_space<semaphore_mem>>)
    %dma_wait3A_491 = arith.constant 3 : i32
    %dma_wait3A_492 = arith.constant 0 : i32
    %dma_wait3A_493 = arith.constant 0 : i32
    %dma_wait3A_494 = tpu.memref_slice %arg9[%dma_wait3A_491, %dma_wait3A_492, %dma_wait3A_493] : memref<4x128x128xf32, #tpu.memory_space<vmem>> -> memref<1x128x128xf32, #tpu.memory_space<vmem>>
    %dma_wait3A_495 = tpu.memref_squeeze %dma_wait3A_494 : memref<1x128x128xf32, #tpu.memory_space<vmem>> -> memref<128x128xf32, #tpu.memory_space<vmem>>
    %dma_wait3A_496 = arith.constant 0 : i32
    %dma_wait3A_497 = arith.constant 0 : i32
    %dma_wait3A_498 = tpu.memref_slice %arg6[%dma_wait3A_496, %dma_wait3A_497] : memref<819200x128xf32, #tpu.memory_space<hbm>> -> memref<128x128xf32, #tpu.memory_space<hbm>>
    %dma_wait3A_499 = arith.constant 0 : i32
    %dma_wait3A_500 = arith.constant 0 : i32
    %dma_wait3A_501 = tpu.memref_slice %arg9[%dma_wait3A_491, %dma_wait3A_499, %dma_wait3A_500] : memref<4x128x128xf32, #tpu.memory_space<vmem>> -> memref<1x128x128xf32, #tpu.memory_space<vmem>>
    %dma_wait3A_502 = tpu.memref_squeeze %dma_wait3A_501 : memref<1x128x128xf32, #tpu.memory_space<vmem>> -> memref<128x128xf32, #tpu.memory_space<vmem>>
    %dma_wait3A_503 = arith.constant 0 : i32
    %dma_wait3A_504 = arith.constant 0 : i32
    %dma_wait3A_505 = tpu.memref_slice %arg6[%dma_wait3A_503, %dma_wait3A_504] : memref<819200x128xf32, #tpu.memory_space<hbm>> -> memref<128x128xf32, #tpu.memory_space<hbm>>
    tpu.wait_dma2 semaphore(%arg13 : memref<!tpu.dma_semaphore, #tpu.memory_space<semaphore_mem>>) src(%dma_wait3A_505 : memref<128x128xf32, #tpu.memory_space<hbm>>) dst(%dma_wait3A_502 : memref<128x128xf32, #tpu.memory_space<vmem>>)
    %add3A_506 = arith.constant 25472 : i32
    %add3A_507 = arith.addi %mul3A_4, %add3A_506 : i32
    %dma_start3A_508 = arith.constant 3 : i32
    %dma_start3A_509 = arith.constant 0 : i32
    %dma_start3A_510 = arith.constant 0 : i32
    %dma_start3A_511 = tpu.memref_slice %arg9[%dma_start3A_508, %dma_start3A_509, %dma_start3A_510] : memref<4x128x128xf32, #tpu.memory_space<vmem>> -> memref<1x128x128xf32, #tpu.memory_space<vmem>>
    %dma_start3A_512 = tpu.memref_squeeze %dma_start3A_511 : memref<1x128x128xf32, #tpu.memory_space<vmem>> -> memref<128x128xf32, #tpu.memory_space<vmem>>
    %dma_start3A_513 = arith.constant 0 : i32
    %dma_start3A_514 = tpu.memref_slice %arg6[%add3A_507, %dma_start3A_513] : memref<819200x128xf32, #tpu.memory_space<hbm>> -> memref<128x128xf32, #tpu.memory_space<hbm>>
    %dma_start3A_515 = arith.constant 0 : i32
    %dma_start3A_516 = tpu.memref_slice %arg6[%add3A_507, %dma_start3A_515] : memref<819200x128xf32, #tpu.memory_space<hbm>> -> memref<128x128xf32, #tpu.memory_space<hbm>>
    %dma_start3A_517 = arith.constant 0 : i32
    %dma_start3A_518 = arith.constant 0 : i32
    %dma_start3A_519 = tpu.memref_slice %arg9[%dma_start3A_508, %dma_start3A_517, %dma_start3A_518] : memref<4x128x128xf32, #tpu.memory_space<vmem>> -> memref<1x128x128xf32, #tpu.memory_space<vmem>>
    %dma_start3A_520 = tpu.memref_squeeze %dma_start3A_519 : memref<1x128x128xf32, #tpu.memory_space<vmem>> -> memref<128x128xf32, #tpu.memory_space<vmem>>
    tpu.enqueue_dma source(%dma_start3A_520 : memref<128x128xf32, #tpu.memory_space<vmem>>) target(%dma_start3A_516 : memref<128x128xf32, #tpu.memory_space<hbm>>) target_semaphore(%arg14 : memref<!tpu.dma_semaphore, #tpu.memory_space<semaphore_mem>>)
    %dma_wait3A_521 = arith.constant 0 : i32
    %dma_wait3A_522 = arith.constant 0 : i32
    %dma_wait3A_523 = arith.constant 0 : i32
    %dma_wait3A_524 = tpu.memref_slice %arg9[%dma_wait3A_521, %dma_wait3A_522, %dma_wait3A_523] : memref<4x128x128xf32, #tpu.memory_space<vmem>> -> memref<1x128x128xf32, #tpu.memory_space<vmem>>
    %dma_wait3A_525 = tpu.memref_squeeze %dma_wait3A_524 : memref<1x128x128xf32, #tpu.memory_space<vmem>> -> memref<128x128xf32, #tpu.memory_space<vmem>>
    %dma_wait3A_526 = arith.constant 0 : i32
    %dma_wait3A_527 = arith.constant 0 : i32
    %dma_wait3A_528 = tpu.memref_slice %arg6[%dma_wait3A_526, %dma_wait3A_527] : memref<819200x128xf32, #tpu.memory_space<hbm>> -> memref<128x128xf32, #tpu.memory_space<hbm>>
    %dma_wait3A_529 = arith.constant 0 : i32
    %dma_wait3A_530 = arith.constant 0 : i32
    %dma_wait3A_531 = tpu.memref_slice %arg6[%dma_wait3A_529, %dma_wait3A_530] : memref<819200x128xf32, #tpu.memory_space<hbm>> -> memref<128x128xf32, #tpu.memory_space<hbm>>
    %dma_wait3A_532 = arith.constant 0 : i32
    %dma_wait3A_533 = arith.constant 0 : i32
    %dma_wait3A_534 = tpu.memref_slice %arg9[%dma_wait3A_521, %dma_wait3A_532, %dma_wait3A_533] : memref<4x128x128xf32, #tpu.memory_space<vmem>> -> memref<1x128x128xf32, #tpu.memory_space<vmem>>
    %dma_wait3A_535 = tpu.memref_squeeze %dma_wait3A_534 : memref<1x128x128xf32, #tpu.memory_space<vmem>> -> memref<128x128xf32, #tpu.memory_space<vmem>>
    tpu.wait_dma2 semaphore(%arg14 : memref<!tpu.dma_semaphore, #tpu.memory_space<semaphore_mem>>) src(%dma_wait3A_535 : memref<128x128xf32, #tpu.memory_space<vmem>>) dst(%dma_wait3A_531 : memref<128x128xf32, #tpu.memory_space<hbm>>)
    %dma_wait3A_536 = arith.constant 1 : i32
    %dma_wait3A_537 = arith.constant 0 : i32
    %dma_wait3A_538 = arith.constant 0 : i32
    %dma_wait3A_539 = tpu.memref_slice %arg9[%dma_wait3A_536, %dma_wait3A_537, %dma_wait3A_538] : memref<4x128x128xf32, #tpu.memory_space<vmem>> -> memref<1x128x128xf32, #tpu.memory_space<vmem>>
    %dma_wait3A_540 = tpu.memref_squeeze %dma_wait3A_539 : memref<1x128x128xf32, #tpu.memory_space<vmem>> -> memref<128x128xf32, #tpu.memory_space<vmem>>
    %dma_wait3A_541 = arith.constant 0 : i32
    %dma_wait3A_542 = arith.constant 0 : i32
    %dma_wait3A_543 = tpu.memref_slice %arg6[%dma_wait3A_541, %dma_wait3A_542] : memref<819200x128xf32, #tpu.memory_space<hbm>> -> memref<128x128xf32, #tpu.memory_space<hbm>>
    %dma_wait3A_544 = arith.constant 0 : i32
    %dma_wait3A_545 = arith.constant 0 : i32
    %dma_wait3A_546 = tpu.memref_slice %arg6[%dma_wait3A_544, %dma_wait3A_545] : memref<819200x128xf32, #tpu.memory_space<hbm>> -> memref<128x128xf32, #tpu.memory_space<hbm>>
    %dma_wait3A_547 = arith.constant 0 : i32
    %dma_wait3A_548 = arith.constant 0 : i32
    %dma_wait3A_549 = tpu.memref_slice %arg9[%dma_wait3A_536, %dma_wait3A_547, %dma_wait3A_548] : memref<4x128x128xf32, #tpu.memory_space<vmem>> -> memref<1x128x128xf32, #tpu.memory_space<vmem>>
    %dma_wait3A_550 = tpu.memref_squeeze %dma_wait3A_549 : memref<1x128x128xf32, #tpu.memory_space<vmem>> -> memref<128x128xf32, #tpu.memory_space<vmem>>
    tpu.wait_dma2 semaphore(%arg14 : memref<!tpu.dma_semaphore, #tpu.memory_space<semaphore_mem>>) src(%dma_wait3A_550 : memref<128x128xf32, #tpu.memory_space<vmem>>) dst(%dma_wait3A_546 : memref<128x128xf32, #tpu.memory_space<hbm>>)
    %dma_wait3A_551 = arith.constant 2 : i32
    %dma_wait3A_552 = arith.constant 0 : i32
    %dma_wait3A_553 = arith.constant 0 : i32
    %dma_wait3A_554 = tpu.memref_slice %arg9[%dma_wait3A_551, %dma_wait3A_552, %dma_wait3A_553] : memref<4x128x128xf32, #tpu.memory_space<vmem>> -> memref<1x128x128xf32, #tpu.memory_space<vmem>>
    %dma_wait3A_555 = tpu.memref_squeeze %dma_wait3A_554 : memref<1x128x128xf32, #tpu.memory_space<vmem>> -> memref<128x128xf32, #tpu.memory_space<vmem>>
    %dma_wait3A_556 = arith.constant 0 : i32
    %dma_wait3A_557 = arith.constant 0 : i32
    %dma_wait3A_558 = tpu.memref_slice %arg6[%dma_wait3A_556, %dma_wait3A_557] : memref<819200x128xf32, #tpu.memory_space<hbm>> -> memref<128x128xf32, #tpu.memory_space<hbm>>
    %dma_wait3A_559 = arith.constant 0 : i32
    %dma_wait3A_560 = arith.constant 0 : i32
    %dma_wait3A_561 = tpu.memref_slice %arg6[%dma_wait3A_559, %dma_wait3A_560] : memref<819200x128xf32, #tpu.memory_space<hbm>> -> memref<128x128xf32, #tpu.memory_space<hbm>>
    %dma_wait3A_562 = arith.constant 0 : i32
    %dma_wait3A_563 = arith.constant 0 : i32
    %dma_wait3A_564 = tpu.memref_slice %arg9[%dma_wait3A_551, %dma_wait3A_562, %dma_wait3A_563] : memref<4x128x128xf32, #tpu.memory_space<vmem>> -> memref<1x128x128xf32, #tpu.memory_space<vmem>>
    %dma_wait3A_565 = tpu.memref_squeeze %dma_wait3A_564 : memref<1x128x128xf32, #tpu.memory_space<vmem>> -> memref<128x128xf32, #tpu.memory_space<vmem>>
    tpu.wait_dma2 semaphore(%arg14 : memref<!tpu.dma_semaphore, #tpu.memory_space<semaphore_mem>>) src(%dma_wait3A_565 : memref<128x128xf32, #tpu.memory_space<vmem>>) dst(%dma_wait3A_561 : memref<128x128xf32, #tpu.memory_space<hbm>>)
    %dma_wait3A_566 = arith.constant 3 : i32
    %dma_wait3A_567 = arith.constant 0 : i32
    %dma_wait3A_568 = arith.constant 0 : i32
    %dma_wait3A_569 = tpu.memref_slice %arg9[%dma_wait3A_566, %dma_wait3A_567, %dma_wait3A_568] : memref<4x128x128xf32, #tpu.memory_space<vmem>> -> memref<1x128x128xf32, #tpu.memory_space<vmem>>
    %dma_wait3A_570 = tpu.memref_squeeze %dma_wait3A_569 : memref<1x128x128xf32, #tpu.memory_space<vmem>> -> memref<128x128xf32, #tpu.memory_space<vmem>>
    %dma_wait3A_571 = arith.constant 0 : i32
    %dma_wait3A_572 = arith.constant 0 : i32
    %dma_wait3A_573 = tpu.memref_slice %arg6[%dma_wait3A_571, %dma_wait3A_572] : memref<819200x128xf32, #tpu.memory_space<hbm>> -> memref<128x128xf32, #tpu.memory_space<hbm>>
    %dma_wait3A_574 = arith.constant 0 : i32
    %dma_wait3A_575 = arith.constant 0 : i32
    %dma_wait3A_576 = tpu.memref_slice %arg6[%dma_wait3A_574, %dma_wait3A_575] : memref<819200x128xf32, #tpu.memory_space<hbm>> -> memref<128x128xf32, #tpu.memory_space<hbm>>
    %dma_wait3A_577 = arith.constant 0 : i32
    %dma_wait3A_578 = arith.constant 0 : i32
    %dma_wait3A_579 = tpu.memref_slice %arg9[%dma_wait3A_566, %dma_wait3A_577, %dma_wait3A_578] : memref<4x128x128xf32, #tpu.memory_space<vmem>> -> memref<1x128x128xf32, #tpu.memory_space<vmem>>
    %dma_wait3A_580 = tpu.memref_squeeze %dma_wait3A_579 : memref<1x128x128xf32, #tpu.memory_space<vmem>> -> memref<128x128xf32, #tpu.memory_space<vmem>>
    tpu.wait_dma2 semaphore(%arg14 : memref<!tpu.dma_semaphore, #tpu.memory_space<semaphore_mem>>) src(%dma_wait3A_580 : memref<128x128xf32, #tpu.memory_space<vmem>>) dst(%dma_wait3A_576 : memref<128x128xf32, #tpu.memory_space<hbm>>)
    return
  }
}

</mosaic_0001>

<sc_bundles>
// kernel: kernel.3.cloned.1.call-start
scs
__scs_entry_jumppad:
0x0: {  	(pc) =	sbr.rel $0x88, $3  }
0x1: {  	(tag) =	ssettag $0x0;
	lr =	simm.s32 $0x1  }
0x2: {  	[smem:$0x3F9D] =	sst lr;
	_ =	strace $0xD0000000  }
0x3: {  	_ = 	snop  }
0x4: {  	_ = 	snop  }
0x5: {  	_ = 	snop  }
0x6: {  	_ = 	snop  }
0x7: {  	_ = 	snop  }
__scs_overlays_trampoline_lowered:
0x8: {  	[smem:$0x3FAC] =	sst s0  }
0x9: {  	[smem:$0x3FAD] =	sst s1  }
0xa: {  	[smem:$0x3FAE] =	sst s2  }
0xb: {  	[smem:$0x3FAF] =	sst s3  }
0xc: {  	[smem:$0x3FB0] =	sst s4  }
0xd: {  	[smem:$0x3FB1] =	sst s5  }
0xe: {  	[smem:$0x3FB2] =	sst s6  }
0xf: {  	[smem:$0x3FB3] =	sst s7  }
0x10: {  	[smem:$0x3FB4] =	sst s8  }
0x11: {  	[smem:$0x3FB5] =	sst s9;
	s0 =	simm.s32 @!p0 $0x0  }
0x12: {  	s1 =	sld [smem:$0x3F9B];
	s0 =	simm.s32 @p0 $0x1  }
0x13: {  	[smem:$0x3FB6] =	sst s0;
	s0 =	simm.s32 @!p1 $0x0  }
0x14: {  	s2 =	sld [smem:$0x3F9A];
	s0 =	simm.s32 @p1 $0x1  }
0x15: {  	[smem:$0x3FB7] =	sst s0;
	s0 =	simm.s32 @!p2 $0x0  }
0x16: {  	s3 =	sld [smem:$0x3FDB];
	s0 =	simm.s32 @p2 $0x1  }
0x17: {  	s4 =	simm.s32 $0x1BF5;
	[smem:$0x3FB9] =	sst s0  }
0x18: {  	s0 =	sld [smem:$0x3F9C];
	_ =	swait.ge [sflag:s4], $0x0  }
0x19: {  	s7 =	sld [smem:$0x3F9D]  }
0x1a: {  	s8 =	sadd.s32 $0xFFFFE003, lr  }
0x1b: {  	s9 =	sadd.s32 $0xFFFFFEF7, lr;
	s5 =	simm.s32 $0xFFFFFFFF;
	p2 =	slt.u32 s8, $0xFFFFF086  }
0x1c: {  	p1 =	slt.u32 s9, $0xF7A;
	s5 =	simm.s32 @!p2 $0x0  }
0x1d: {  	s5 =	simm.s32 @p1 $0x1;
	p0 =	seq.s32 s7, s2  }
0x1e: {  	s7 =	smul.u32 @!p0 $0xF7A, s2;
	p2 =	seq.s32 @!p0 s5, $0x0  }
0x1f: {  	s9 =	smul.u32 $0xF7A, s1;
	s8 =	simm.s32 @!p0 $0x1BF5;
	p2 =	por !p2, p0  }
0x20: {  	[sflag:s8] =	ssyncset.s32 @!p0 $0xFFFFF086;
	s6 =	sadd.s32 @!p0 s3, s7;
	s7 =	simm.s32 @!p0 $0x108  }
0x21: {  	s3 =	sadd.s32 s3, s9;
	s6 =	sadd.s32 @!p0 $0x88, s6;
	s7 =	simm.s32 @p2 $0x1082  }
0x22: {  	[simem:s7], [sflag:s8] =	dma.local @!p0 [hbm:s6], $0xF7A  }
0x23: {  	s9 =	sor.u32 $0xD0000000, s2;
	s6 =	simm.s32 $0x108;
	_ =	swait.ge @!p0 [sflag:s8], $0x0  }
0x24: {  	s3 =	sadd.s32 $0x88, s3;
	s6 =	simm.s32 @!p1 $0x1082;
	[sflag:s4] =	ssyncset.s32 $0xFFFFF086  }
0x25: {  	[simem:s6], [sflag:s4] =	dma.local [hbm:s3], $0xF7A  }
0x26: {  	[smem:$0x3F9D] =	sst s1;
	(tag) =	ssettag s2;
	_ =	strace s9  }
0x27: {  	s1 =	sld [smem:$0x3FAD]  }
0x28: {  	s2 =	sld [smem:$0x3FAE]  }
0x29: {  	s4 =	sld [smem:$0x3FB0]  }
0x2a: {  	p0 =	seq.s32 s5, $0x0;
	s5 =	sld [smem:$0x3FB1]  }
0x2b: {  	s6 =	sld [smem:$0x3FB2]  }
0x2c: {  	s7 =	sld [smem:$0x3FB3]  }
0x2d: {  	s3 =	simm.s32 $0x108;
	s8 =	sld [smem:$0x3FB4]  }
0x2e: {  	s3 =	simm.s32 @!p0 $0x1082;
	s9 =	sld [smem:$0x3FB5]  }
0x2f: {  	lr =	sadd.s32 s0, s3;
	s0 =	sld [smem:$0x3FAC]  }
0x30: {  	s3 =	sld [smem:$0x3FAF]  }
0x31: {  	[smem:$0x3FB8] =	sst s10  }
0x32: {  	s10 =	sld [smem:$0x3FB6];
	_ =	sdelay $0x3  }
0x33: {  	p0 =	seq.s32 s10, $0x1;
	s10 =	sld [smem:$0x3FB8];
	_ =	sdelay $0x3  }
0x34: {  	[smem:$0x3FB8] =	sst s10  }
0x35: {  	s10 =	sld [smem:$0x3FB7];
	_ =	sdelay $0x3  }
0x36: {  	p1 =	seq.s32 s10, $0x1;
	s10 =	sld [smem:$0x3FB8];
	_ =	sdelay $0x3  }
0x37: {  	[smem:$0x3FB8] =	sst s10  }
0x38: {  	s10 =	sld [smem:$0x3FB9]  }
0x39: {  	_ = 	snop;
	(pc) =	sbr.ind lr, $3  }
0x3a: {  	_ = 	snop  }
0x3b: {  	_ = 	snop  }
0x3c: {  	p2 =	seq.s32 s10, $0x1;
	s10 =	sld [smem:$0x3FB8]  }
0x3d: {  	_ =	shalt  }
0x3e: {  	_ =	shalt  }
0x3f: {  	_ =	shalt  }
0x40: {  	_ =	shalt  }
0x41: {  	_ =	shalt  }
0x42: {  	_ =	shalt  }
0x43: {  	_ =	shalt  }
0x44: {  	_ =	shalt  }
0x45: {  	_ =	shalt  }
0x46: {  	_ =	shalt  }
0x47: {  	_ =	shalt  }
0x48: {  	_ =	shalt  }
0x49: {  	_ =	shalt  }
0x4a: {  	_ =	shalt  }
0x4b: {  	_ =	shalt  }
0x4c: {  	_ =	shalt  }
0x4d: {  	_ =	shalt  }
0x4e: {  	_ =	shalt  }
0x4f: {  	_ =	shalt  }
0x50: {  	_ =	shalt  }
0x51: {  	_ =	shalt  }
0x52: {  	_ =	shalt  }
0x53: {  	_ =	shalt  }
0x54: {  	_ =	shalt  }
0x55: {  	_ =	shalt  }
0x56: {  	_ =	shalt  }
0x57: {  	_ =	shalt  }
0x58: {  	_ =	shalt  }
0x59: {  	_ =	shalt  }
0x5a: {  	_ =	shalt  }
0x5b: {  	_ =	shalt  }
0x5c: {  	_ =	shalt  }
0x5d: {  	_ =	shalt  }
0x5e: {  	_ =	shalt  }
0x5f: {  	_ =	shalt  }
0x60: {  	_ =	shalt  }
0x61: {  	_ =	shalt  }
0x62: {  	_ =	shalt  }
0x63: {  	_ =	shalt  }
0x64: {  	_ =	shalt  }
0x65: {  	_ =	shalt  }
0x66: {  	_ =	shalt  }
0x67: {  	_ =	shalt  }
0x68: {  	_ =	shalt  }
0x69: {  	_ =	shalt  }
0x6a: {  	_ =	shalt  }
0x6b: {  	_ =	shalt  }
0x6c: {  	_ =	shalt  }
0x6d: {  	_ =	shalt  }
0x6e: {  	_ =	shalt  }
0x6f: {  	_ =	shalt  }
0x70: {  	_ =	shalt  }
0x71: {  	_ =	shalt  }
0x72: {  	_ =	shalt  }
0x73: {  	_ =	shalt  }
0x74: {  	_ =	shalt  }
0x75: {  	_ =	shalt  }
0x76: {  	_ =	shalt  }
0x77: {  	_ =	shalt  }
0x78: {  	_ =	shalt  }
0x79: {  	_ =	shalt  }
0x7a: {  	_ =	shalt  }
0x7b: {  	_ =	shalt  }
0x7c: {  	_ =	shalt  }
0x7d: {  	_ =	shalt  }
0x7e: {  	_ =	shalt  }
0x7f: {  	_ =	shalt  }
0x80: {  	_ =	shalt  }
0x81: {  	_ =	shalt  }
0x82: {  	_ =	shalt  }
0x83: {  	_ =	shalt  }
0x84: {  	_ =	shalt  }
0x85: {  	_ =	shalt  }
0x86: {  	_ =	shalt  }
0x87: {  	_ =	shalt  }
.Lfunc_end0:
.L_simem_size_0:
called_computation.1_lowered:
.L_overlay_start_0:
0x88: {  	s2 =	sld [smem:$0x3FD9]  }
0x89: {  	s3 =	sld [smem:$0x3FFE];
	_ =	sdelay $0x1  }
0x8a: {  	s1 =	srdreg.scid  }
0x8b: {  	s0 =	sand.u32 $0x1, s1  }
0x8c: {  	s17 =	sshll.u32 s0, $0xA;
	s2 =	sadd.s32 s3, s2  }
0x8d: {  	s2 =	sadd.s32 s2, s17  }
0x8e: {  	[smem:$0x3FC4] =	sst s2  }
0x8f: {  	_ = 	snop  }
0x90: {  	s2 =	sld [smem:$0x3FD0];
	(tm) =	ssettm $0x1  }
0x91: {  	s18 =	sld [smem:$0x3FFB];
	_ =	sdelay $0x3  }
0x92: {  	_ =	strace s18  }
0x93: {  	s3 =	sld [smem:$0x3FFC];
	_ =	sdelay $0x3  }
0x94: {  	_ =	strace s3  }
0x95: {  	s3 =	sld [smem:$0x3FFD];
	_ =	sdelay $0x3  }
0x96: {  	_ =	strace s3  }
0x97: {  	_ =	strace $0x8FFFFFFF  }
0x98: {  	s19 =	sld [smem:$0x3FDB];
	_ =	sdelay $0x1  }
0x99: {  	s4 =	simm.s32 $_scs_section_size  }
0x9a: {  	s5 =	simm.s32 $_size__tile_overlayer_lowered;
	s6 =	simm.s32 $_tile_overlayer_lowered  }
0x9b: {  	s22 =	simm.s32 $0x1BFF;
	s21 =	sshll.u32 s6, $0x1;
	s3 =	sadd.s32 s4, s19  }
0x9c: {  	s7 =	simm.s32 $0x0;
	s20 =	sshll.u32 s5, $0x1;
	s5 =	sadd.s32 s21, s3  }
0x9d: {  	[timem:s7], [sflag:s22] =	dma.local [hbm:s5], s20  }
0x9e: {  	_ =	swait.ge [sflag:s22], s20  }
0x9f: {  	s4 =	ssub.s32 $0x0, s20;
	[sflag:s22] =	ssyncset.done $0x0  }
0xa0: {  	[sflag:s22] =	ssyncadd.s32 s4;
	_ =	sdelay $0x1  }
0xa1: {  	s23 =	simm.s32 $0x1B8B  }
0xa2: {  	_ =	swait.ge [sflag:s23], $0x1  }
0xa3: {  	[sflag:s23] =	ssyncset.done $0x0  }
0xa4: {  	s25 =	simm.s32 $0x1B8E;
	s24 =	sld [smem:$0x3FFE];
	[sflag:s23] =	ssyncadd.s32 $0xFFFFFFFF  }
0xa5: {  	s26 =	simm.s32 $execute0_lowered;
	[smem:$0x3FD2] =	sst s25  }
0xa6: {  	s5 =	sshll.u32 s26, $0x1;
	_ =	strace $0x80000046;
	[dreg:$0x1] =	wrdreg $0xFFFFFFFF  }
0xa7: {  	s28 =	simm.s32 $_size_execute0_lowered;
	s3 =	sadd.s32 s3, s5;
	[dreg:$0x0] =	wrdreg $0x0  }
0xa8: {  	s5 =	sshll.u32 s28, $0x1;
	[dreg:$0x2] =	wrdreg s3  }
0xa9: {  	[dreg:$0x3] =	wrdreg s5  }
0xaa: {  	[dreg:$0x4] =	wrdreg $0xC0  }
0xab: {  	_ =	task [dreg:s7], $0x5FFFF  }
0xac: {  	[dreg:$0x1] =	wrdreg $0xFFFFFFFF  }
0xad: {  	[dreg:$0x0] =	wrdreg $0x60  }
0xae: {  	[dreg:$0x2] =	wrdreg s2  }
0xaf: {  	[dreg:$0x3] =	wrdreg s24  }
0xb0: {  	[dreg:$0x4] =	wrdreg $0x104000  }
0xb1: {  	[dreg:$0x5] =	wrdreg $0x9  }
0xb2: {  	_ =	task.clear_ibuf [dreg:s7], $0x6FFFF;
	_ =	strace $0x90000046  }
0xb3: {  	s29 =	simm.s32 $0x9;
	_ =	strace $0x80000048  }
0xb4: {  	_ =	swait.ge [sflag:s29], $0x1  }
0xb5: {  	[sflag:s29] =	ssyncadd.s32 $0xFFFFFFFF  }
0xb6: {  	_ =	strace $0x90000048  }
0xb7: {  	_ =	sfence  }
0xb8: {  	s30 =	sld [smem:$0x0];
	_ =	sdelay $0x2  }
0xb9: {  	s31 =	sshll.u32 s1, $0xD;
	s1 =	sshrl.u32 s1, $0x2  }
0xba: {  	s3 =	sand.u32 $0x4000, s31;
	s1 =	sadd.s32 s1, s30  }
0xbb: {  	s0 =	sor.u32 s3, s0;
	s1 =	sshll.u32 s1, $0x11  }
0xbc: {  	s0 =	sor.u32 s1, s0  }
0xbd: {  	s0 =	sadd.s32 $0x8F2B, s0  }
0xbe: {  	[sflag:s0] =	ssyncadd.remote.s32 $0x1  }
0xbf: {  	_ =	sfence.sel $0xFFFF  }
0xc0: {  	[dreg:$0x0] =	wrdreg $0xFFFFFFFF;
	(pc) =	sbr.abs _section_cstart, $3  }
0xc1: {  	[dreg:$0x1] =	wrdreg $0xFFFFFFFF  }
0xc2: {  	_ =	task.clear_ibuf [dreg:s7], $0x2FFFF;
	_ =	strace $0x9FFFFFFF  }
0xc3: {  	(tm) =	ssettm $0x7FFFFFFF  }
tec
execute0_lowered:
.L_overlay_start_1:
0x0: {  	(tag) =	ssettag $0x1  }
0x1: {  	s4 =	rddreg [dreg:$0x0]  }
0x2: {  	s5 =	rddreg [dreg:$0x1]  }
0x3: {  	s1 =	rddreg [dreg:$0x2];
	s2 =	simm.s32 $0x0;
	s3 =	srdreg.scid  }
0x4: {  	s0 =	stileid.u32;
	s28 =	simm.s32 $0x400;
	s29 =	simm.s32 $0x280  }
0x5: {  	s30 =	simm.s32 $0x4400;
	s31 =	simm.s32 $0x100;
	s26 =	smul.u32 $0x640000, s0  }
0x6: {  	[smem:$0x7FF] =	sst s2;
	s7 =	sadd.s32 $0xF43400, s5;
	s18 =	smul.u32 $0x190, s0  }
0x7: {  	s6 =	sand.u32 $0x1, s3;
	s3 =	sadd.s32 $0xF5D200, s5;
	s16 =	smul.u32 $0xC800, s0  }
0x8: {  	s23 =	sshll.u32 s0, $0x1;
	s12 =	sadd.s32 $0xF5C400, s5;
	s14 =	smul.u32 $0xC8, s6  }
0x9: {  	s5 =	sadd.s32 $0x1000, s5;
	p0 =	sne.s32 s0, $0x0;
	s20 =	smul.u32 $0x320000, s6  }
0xa: {  	s8 =	ssub.s32 $0x2, s6;
	s9 =	sor.u32 s6, s23;
	s6 =	smul.u32 $0x6400, s6  }
0xb: {  	s0 =	simm.s32 $0x300;
	_ =	strace $0x80000047;
	s11 =	smul.u32 $0xC80, s9  }
0xc: {  	[dreg:$0xa] =	wrdreg s12;
	s12 =	simm.s32 $0x0;
	s23 =	smul.u32 $0x64000, s9  }
0xd: {  	s10 =	sshrl.u32 s8, $0x1;
	s9 =	smul.u32 $0x320000, s9;
	s24 =	sadd.s32 s4, s11  }
0xe: {  	s8 =	ssub.s32 s8, s10;
	s13 =	sadd.s32 s7, s11;
	[dreg:$0xb] =	wrdreg s24  }
0xf: {  	s25 =	sor.u32 $0x10, s11;
	s8 =	smax.u32 s8, $0x1;
	[dreg:$0xc] =	wrdreg s13  }
0x10: {  	s6 =	sadd.s32 s6, s16;
	s17 =	sadd.s32 s4, s25;
	[dreg:$0x19] =	wrdreg s8  }
0x11: {  	s19 =	sor.u32 $0x20, s11;
	s10 =	sadd.s32 s7, s25;
	[dreg:$0xd] =	wrdreg s17  }
0x12: {  	s21 =	sor.u32 $0x30, s11;
	s15 =	sadd.s32 s4, s19;
	[dreg:$0xe] =	wrdreg s10  }
0x13: {  	s11 =	sor.u32 $0x40, s11;
	s22 =	sadd.s32 s4, s21;
	[dreg:$0xf] =	wrdreg s15  }
0x14: {  	s13 =	sadd.s32 s14, s18;
	s14 =	sadd.s32 s5, s23;
	[dreg:$0x11] =	wrdreg s22  }
0x15: {  	s9 =	sshrl.u32 s9, $0x3;
	s10 =	sadd.s32 s7, s19;
	[dreg:$0x13] =	wrdreg s14  }
0x16: {  	s9 =	sadd.s32 s5, s9;
	s15 =	sadd.s32 s7, s21;
	[dreg:$0x10] =	wrdreg s10  }
0x17: {  	s6 =	sshll.u32 s6, $0x4;
	s21 =	sadd.s32 $0x63000, s9;
	[dreg:$0x12] =	wrdreg s15  }
0x18: {  	s6 =	sadd.s32 s6, s5;
	s9 =	sadd.s32 $0x63800, s9;
	[dreg:$0x17] =	wrdreg s21  }
0x19: {  	s10 =	sadd.s32 s20, s26;
	s26 =	sadd.s32 s4, s11;
	[dreg:$0x18] =	wrdreg s9  }
0x1a: {  	s13 =	sshll.u32 s13, $0x4;
	s11 =	sadd.s32 s7, s11;
	[dreg:$0x14] =	wrdreg s26  }
0x1b: {  	s8 =	simm.s32 $0x3;
	s17 =	sadd.s32 s13, s4;
	[dreg:$0x15] =	wrdreg s11  }
0x1c: {  	s24 =	sadd.s32 $0x80, s13;
	s18 =	sadd.s32 s13, s7;
	[dreg:$0x6] =	wrdreg s17  }
0x1d: {  	s19 =	sor.u32 $0x60, s13;
	s20 =	sadd.s32 $0x800, s14;
	[dreg:$0x7] =	wrdreg s18  }
0x1e: {  	s9 =	simm.s32 $0xC400;
	s25 =	sadd.s32 s24, s4;
	[dreg:$0x16] =	wrdreg s20  }
0x1f: {  	s16 =	sadd.s32 s24, s7;
	s4 =	sadd.s32 s19, s4;
	[dreg:$0x4] =	wrdreg s25  }
0x20: {  	s22 =	sadd.s32 s19, s7;
	s23 =	sor.u32 $0x10000, s10;
	[dreg:$0x5] =	wrdreg s16  }
0x21: {  	s24 =	sor.u32 $0x14000, s10;
	s26 =	sadd.s32 $0x1800, s6;
	[dreg:$0x8] =	wrdreg s4  }
0x22: {  	s6 =	sadd.s32 $0x1000, s6;
	s10 =	simm.s32 $0x4;
	[dreg:$0x9] =	wrdreg s22  }
0x23: {  	s11 =	simm.s32 $0x1;
	s7 =	sshrl.u32 s23, $0x3;
	[dreg:$0x1b] =	wrdreg s26  }
0x24: {  	s25 =	sshrl.u32 s24, $0x3;
	[dreg:$0x1c] =	wrdreg s6;
	s26 =	simm.s32 $0x80  }
0x25: {  	s6 =	simm.s32 $0x180;
	s7 =	sadd.s32 s7, s5;
	s4 =	sadd.s32 s25, s5  }
0x26: {  	s25 =	simm.s32 $0x200;
	s5 =	simm.s32 $0x8400;
	[dreg:$0x1a] =	wrdreg s7  }
0x27: {  	[dreg:$0x1d] =	wrdreg s4;
	s4 =	simm.s32 $0x2;
	s7 =	simm.s32 $0x380  }
.LBB2_1:
0x28: {  	s13 =	sshrl.u32 @!p0 s1, $0x3;
	s14 =	simm.s32 @!p0 $0x1C05;
	s15 =	rddreg [dreg:$0xa]  }
0x29: {  	[spmem:s13], [sflag:s14] =	dma.local @!p0 [hbm:s15], $0xC80  }
0x2a: {  	s13 =	simm.s32 @!p0 $0x5  }
0x2b: {  	_ =	swait.ge @!p0 [sflag:s13], $0xC80  }
0x2c: {  	[sflag:s13] =	ssyncset.done @!p0 $0x0  }
0x2d: {  	[sflag:s13] =	ssyncadd.s32 @!p0 $0xFFFFF380  }
0x2e: {  	[bflag:$0x0] =	sbarrier.arrive $0xFFFF  }
0x2f: {  	s16 =	simm.s32 $0x5;
	s15 =	rddreg [dreg:$0xb]  }
0x30: {  	[tilespmem:s2], [sflag:$0x5] =	stream.linear.gather [hbm4b:s15+s2], $0x80, $0x38;
	[tilespmem:$0x10A40] =	vst v63  }
0x31: {  	_ =	swait.ge [sflag:s16], $0x80  }
0x32: {  	[sflag:s16] =	ssyncset.done $0x0  }
0x33: {  	s17 =	rddreg [dreg:$0xc];
	[sflag:s16] =	ssyncadd.s32 $0xFFFFFF80  }
0x34: {  	[tilespmem:s25], [sflag:$0x5] =	stream.linear.gather [hbm4b:s17+s2], $0x80, $0x38;
	[tilespmem:$0x10A40] =	vst v63  }
0x35: {  	_ =	swait.ge [sflag:s16], $0x80  }
0x36: {  	[sflag:s16] =	ssyncset.done $0x0  }
0x37: {  	[sflag:s16] =	ssyncadd.s32 $0xFFFFFF80  }
0x38: {  	[tilespmem:s28], [sflag:$0x2] =	stream.indirect.gather [hbm4b:s3+s26], $0x80, s2, s26, $0xb8;
	[tilespmem:$0x10A40] =	vst v63  }
0x39: {  	s18 =	rddreg [dreg:$0xd]  }
0x3a: {  	[tilespmem:s26], [sflag:$0x1] =	stream.linear.gather [hbm4b:s18+s2], $0x80, $0x38;
	[tilespmem:$0x10A40] =	vst v63  }
0x3b: {  	s19 =	rddreg [dreg:$0xe]  }
0x3c: {  	[tilespmem:s29], [sflag:$0x1] =	stream.linear.gather [hbm4b:s19+s2], $0x80, $0x38;
	[tilespmem:$0x10A40] =	vst v63  }
0x3d: {  	_ =	swait.ge [sflag:s11], $0x80  }
0x3e: {  	[sflag:s11] =	ssyncset.done $0x0  }
0x3f: {  	[sflag:s11] =	ssyncadd.s32 $0xFFFFFF80  }
0x40: {  	_ =	swait.ge [sflag:s11], $0x80  }
0x41: {  	[sflag:s11] =	ssyncset.done $0x0  }
0x42: {  	[sflag:s11] =	ssyncadd.s32 $0xFFFFFF80  }
0x43: {  	[tilespmem:s30], [sflag:$0x2] =	stream.indirect.gather [hbm4b:s3+s26], $0x80, s26, s26, $0xb8;
	[tilespmem:$0x10A40] =	vst v63  }
0x44: {  	s20 =	rddreg [dreg:$0xf]  }
0x45: {  	[tilespmem:s31], [sflag:$0x1] =	stream.linear.gather [hbm4b:s20+s2], $0x80, $0x38;
	[tilespmem:$0x10A40] =	vst v63  }
0x46: {  	s21 =	rddreg [dreg:$0x10]  }
0x47: {  	[tilespmem:s0], [sflag:$0x1] =	stream.linear.gather [hbm4b:s21+s2], $0x80, $0x38;
	[tilespmem:$0x10A40] =	vst v63  }
0x48: {  	_ =	swait.ge [sflag:s4], $0x4000  }
0x49: {  	[sflag:s4] =	ssyncset.done $0x0  }
0x4a: {  	[sflag:s4] =	ssyncadd.s32 $0xFFFFC000  }
0x4b: {  	[tilespmem:s28], [sflag:$0x3] =	stream.indirect.gather.add.f32 [spmem:s1], $0x80, s25, s26, $0xb8;
	[tilespmem:$0x10A40] =	vst v63  }
0x4c: {  	_ =	swait.ge [sflag:s11], $0x80  }
0x4d: {  	[sflag:s11] =	ssyncset.done $0x0  }
0x4e: {  	[sflag:s11] =	ssyncadd.s32 $0xFFFFFF80  }
0x4f: {  	_ =	swait.ge [sflag:s11], $0x80  }
0x50: {  	[sflag:s11] =	ssyncset.done $0x0  }
0x51: {  	[sflag:s11] =	ssyncadd.s32 $0xFFFFFF80  }
0x52: {  	[tilespmem:s5], [sflag:$0x2] =	stream.indirect.gather [hbm4b:s3+s26], $0x80, s31, s26, $0xb8;
	[tilespmem:$0x10A40] =	vst v63  }
0x53: {  	s22 =	rddreg [dreg:$0x11]  }
0x54: {  	[tilespmem:s6], [sflag:$0x1] =	stream.linear.gather [hbm4b:s22+s2], $0x80, $0x38;
	[tilespmem:$0x10A40] =	vst v63  }
0x55: {  	s23 =	rddreg [dreg:$0x12]  }
0x56: {  	[tilespmem:s7], [sflag:$0x1] =	stream.linear.gather [hbm4b:s23+s2], $0x80, $0x38;
	[tilespmem:$0x10A40] =	vst v63  }
0x57: {  	_ =	swait.ge [sflag:s4], $0x4000  }
0x58: {  	[sflag:s4] =	ssyncset.done $0x0  }
0x59: {  	[sflag:s4] =	ssyncadd.s32 $0xFFFFC000  }
0x5a: {  	[tilespmem:s30], [sflag:$0x3] =	stream.indirect.gather.add.f32 [spmem:s1], $0x80, s29, s26, $0xb8;
	[tilespmem:$0x10A40] =	vst v63  }
0x5b: {  	_ =	swait.ge [sflag:s8], $0x4000  }
0x5c: {  	[sflag:s8] =	ssyncset.done $0x0  }
0x5d: {  	s24 =	rddreg [dreg:$0x13];
	[sflag:s8] =	ssyncadd.s32 $0xFFFFC000  }
0x5e: {  	[hbm4b:s24+s2] =	stream.linear.scatter [tilespmem:s28], [sflag:$0x4], $0x4000, $0x38;
	[tilespmem:$0x10A40] =	vst v63  }
0x5f: {  	_ =	swait.ge [sflag:s11], $0x80  }
0x60: {  	[sflag:s11] =	ssyncset.done $0x0  }
0x61: {  	[sflag:s11] =	ssyncadd.s32 $0xFFFFFF80  }
0x62: {  	_ =	swait.ge [sflag:s11], $0x80  }
0x63: {  	[sflag:s11] =	ssyncset.done $0x0  }
0x64: {  	[sflag:s11] =	ssyncadd.s32 $0xFFFFFF80  }
0x65: {  	[tilespmem:s9], [sflag:$0x2] =	stream.indirect.gather [hbm4b:s3+s26], $0x80, s6, s26, $0xb8;
	[tilespmem:$0x10A40] =	vst v63  }
0x66: {  	s14 =	rddreg [dreg:$0x14]  }
0x67: {  	[tilespmem:s2], [sflag:$0x1] =	stream.linear.gather [hbm4b:s14+s2], $0x80, $0x38;
	[tilespmem:$0x10A40] =	vst v63  }
0x68: {  	s15 =	rddreg [dreg:$0x15]  }
0x69: {  	[tilespmem:s25], [sflag:$0x1] =	stream.linear.gather [hbm4b:s15+s2], $0x80, $0x38;
	[tilespmem:$0x10A40] =	vst v63  }
0x6a: {  	_ =	swait.ge [sflag:s4], $0x4000  }
0x6b: {  	[sflag:s4] =	ssyncset.done $0x0  }
0x6c: {  	[sflag:s4] =	ssyncadd.s32 $0xFFFFC000  }
0x6d: {  	[tilespmem:s5], [sflag:$0x3] =	stream.indirect.gather.add.f32 [spmem:s1], $0x80, s0, s26, $0xb8;
	[tilespmem:$0x10A40] =	vst v63  }
0x6e: {  	_ =	swait.ge [sflag:s8], $0x4000  }
0x6f: {  	[sflag:s8] =	ssyncset.done $0x0  }
0x70: {  	s16 =	rddreg [dreg:$0x16];
	[sflag:s8] =	ssyncadd.s32 $0xFFFFC000  }
0x71: {  	[hbm4b:s16+s2] =	stream.linear.scatter [tilespmem:s30], [sflag:$0x4], $0x4000, $0x38;
	[tilespmem:$0x10A40] =	vst v63  }
0x72: {  	_ =	swait.ge [sflag:s10], $0x4000  }
0x73: {  	[sflag:s10] =	ssyncset.done $0x0  }
0x74: {  	[sflag:s10] =	ssyncadd.s32 $0xFFFFC000  }
0x75: {  	_ =	swait.ge [sflag:s11], $0x80  }
0x76: {  	[sflag:s11] =	ssyncset.done $0x0  }
0x77: {  	[sflag:s11] =	ssyncadd.s32 $0xFFFFFF80  }
0x78: {  	_ =	swait.ge [sflag:s11], $0x80  }
0x79: {  	[sflag:s11] =	ssyncset.done $0x0;
	s17 =	rddreg [dreg:$0x6]  }
0x7a: {  	s18 =	rddreg [dreg:$0x7];
	[sflag:s11] =	ssyncadd.s32 $0xFFFFFF80;
	s13 =	sadd.s32 $0x0, s17  }
0x7b: {  	[tilespmem:s28], [sflag:$0x2] =	stream.indirect.gather [hbm4b:s3+s26], $0x80, s2, s26, $0xb8;
	[tilespmem:$0x10A40] =	vst v63  }
0x7c: {  	s14 =	sadd.s32 $0x0, s18;
	s19 =	sadd.s32 $0x50, s13  }
0x7d: {  	[tilespmem:s26], [sflag:$0x1] =	stream.linear.gather [hbm4b:s19+s2], $0x80, $0x38;
	[tilespmem:$0x10A40] =	vst v63  }
0x7e: {  	s20 =	sadd.s32 $0x50, s14  }
0x7f: {  	[tilespmem:s29], [sflag:$0x1] =	stream.linear.gather [hbm4b:s20+s2], $0x80, $0x38;
	[tilespmem:$0x10A40] =	vst v63  }
0x80: {  	_ =	swait.ge [sflag:s4], $0x4000  }
0x81: {  	[sflag:s4] =	ssyncset.done $0x0  }
0x82: {  	[sflag:s4] =	ssyncadd.s32 $0xFFFFC000  }
0x83: {  	[tilespmem:s9], [sflag:$0x3] =	stream.indirect.gather.add.f32 [spmem:s1], $0x80, s7, s26, $0xb8;
	[tilespmem:$0x10A40] =	vst v63  }
0x84: {  	_ =	swait.ge [sflag:s8], $0x4000  }
0x85: {  	[sflag:s8] =	ssyncset.done $0x0  }
0x86: {  	s18 =	rddreg [dreg:$0x1c];
	[sflag:s8] =	ssyncadd.s32 $0xFFFFC000  }
0x87: {  	[hbm4b:s18+s2] =	stream.linear.scatter [tilespmem:s5], [sflag:$0x4], $0x4000, $0x38;
	[tilespmem:$0x10A40] =	vst v63  }
0x88: {  	_ =	swait.ge [sflag:s10], $0x4000  }
0x89: {  	[sflag:s10] =	ssyncset.done $0x0  }
0x8a: {  	[sflag:s10] =	ssyncadd.s32 $0xFFFFC000  }
0x8b: {  	_ =	swait.ge [sflag:s11], $0x80  }
0x8c: {  	[sflag:s11] =	ssyncset.done $0x0  }
0x8d: {  	[sflag:s11] =	ssyncadd.s32 $0xFFFFFF80  }
0x8e: {  	_ =	swait.ge [sflag:s11], $0x80  }
0x8f: {  	[sflag:s11] =	ssyncset.done $0x0  }
0x90: {  	s21 =	rddreg [dreg:$0x8];
	[sflag:s11] =	ssyncadd.s32 $0xFFFFFF80  }
0x91: {  	[tilespmem:s30], [sflag:$0x2] =	stream.indirect.gather [hbm4b:s3+s26], $0x80, s26, s26, $0xb8;
	[tilespmem:$0x10A40] =	vst v63  }
0x92: {  	s16 =	rddreg [dreg:$0x9];
	s15 =	sadd.s32 $0x0, s21  }
0x93: {  	[tilespmem:s31], [sflag:$0x1] =	stream.linear.gather [hbm4b:s15+s2], $0x80, $0x38;
	[tilespmem:$0x10A40] =	vst v63  }
0x94: {  	s22 =	sadd.s32 $0x0, s16  }
0x95: {  	[tilespmem:s0], [sflag:$0x1] =	stream.linear.gather [hbm4b:s22+s2], $0x80, $0x38;
	[tilespmem:$0x10A40] =	vst v63  }
0x96: {  	_ =	swait.ge [sflag:s4], $0x4000  }
0x97: {  	[sflag:s4] =	ssyncset.done $0x0  }
0x98: {  	[sflag:s4] =	ssyncadd.s32 $0xFFFFC000  }
0x99: {  	[tilespmem:s28], [sflag:$0x3] =	stream.indirect.gather.add.f32 [spmem:s1], $0x80, s25, s26, $0xb8;
	[tilespmem:$0x10A40] =	vst v63  }
0x9a: {  	_ =	swait.ge [sflag:s8], $0x4000  }
0x9b: {  	[sflag:s8] =	ssyncset.done $0x0  }
0x9c: {  	s17 =	rddreg [dreg:$0x1b];
	[sflag:s8] =	ssyncadd.s32 $0xFFFFC000  }
0x9d: {  	[hbm4b:s17+s2] =	stream.linear.scatter [tilespmem:s9], [sflag:$0x4], $0x4000, $0x38;
	[tilespmem:$0x10A40] =	vst v63  }
0x9e: {  	_ =	swait.ge [sflag:s10], $0x4000  }
0x9f: {  	[sflag:s10] =	ssyncset.done $0x0  }
0xa0: {  	[sflag:s10] =	ssyncadd.s32 $0xFFFFC000  }
0xa1: {  	_ =	swait.ge [sflag:s11], $0x80  }
0xa2: {  	[sflag:s11] =	ssyncset.done $0x0  }
0xa3: {  	[sflag:s11] =	ssyncadd.s32 $0xFFFFFF80  }
0xa4: {  	_ =	swait.ge [sflag:s11], $0x80  }
0xa5: {  	[sflag:s11] =	ssyncset.done $0x0  }
0xa6: {  	[sflag:s11] =	ssyncadd.s32 $0xFFFFFF80  }
0xa7: {  	[tilespmem:s5], [sflag:$0x2] =	stream.indirect.gather [hbm4b:s3+s26], $0x80, s31, s26, $0xb8;
	[tilespmem:$0x10A40] =	vst v63  }
0xa8: {  	s13 =	sadd.s32 $0x70, s13  }
0xa9: {  	[tilespmem:s6], [sflag:$0x1] =	stream.linear.gather [hbm4b:s13+s2], $0x80, $0x38;
	[tilespmem:$0x10A40] =	vst v63  }
0xaa: {  	s23 =	sadd.s32 $0x70, s14  }
0xab: {  	[tilespmem:s7], [sflag:$0x1] =	stream.linear.gather [hbm4b:s23+s2], $0x80, $0x38;
	[tilespmem:$0x10A40] =	vst v63  }
0xac: {  	_ =	swait.ge [sflag:s4], $0x4000  }
0xad: {  	[sflag:s4] =	ssyncset.done $0x0  }
0xae: {  	[sflag:s4] =	ssyncadd.s32 $0xFFFFC000  }
0xaf: {  	[tilespmem:s30], [sflag:$0x3] =	stream.indirect.gather.add.f32 [spmem:s1], $0x80, s29, s26, $0xb8;
	[tilespmem:$0x10A40] =	vst v63  }
0xb0: {  	_ =	swait.ge [sflag:s8], $0x4000  }
0xb1: {  	[sflag:s8] =	ssyncset.done $0x0  }
0xb2: {  	s24 =	rddreg [dreg:$0x1a];
	[sflag:s8] =	ssyncadd.s32 $0xFFFFC000  }
0xb3: {  	[hbm4b:s24+s2] =	stream.linear.scatter [tilespmem:s28], [sflag:$0x4], $0x4000, $0x38;
	[tilespmem:$0x10A40] =	vst v63  }
0xb4: {  	_ =	swait.ge [sflag:s10], $0x4000  }
0xb5: {  	[sflag:s10] =	ssyncset.done $0x0  }
0xb6: {  	[sflag:s10] =	ssyncadd.s32 $0xFFFFC000  }
0xb7: {  	_ =	swait.ge [sflag:s11], $0x80  }
0xb8: {  	[sflag:s11] =	ssyncset.done $0x0  }
0xb9: {  	[sflag:s11] =	ssyncadd.s32 $0xFFFFFF80  }
0xba: {  	_ =	swait.ge [sflag:s11], $0x80  }
0xbb: {  	[sflag:s11] =	ssyncset.done $0x0  }
0xbc: {  	p1 =	por $0x0, $0x0;
	s13 =	rddreg [dreg:$0x4];
	[sflag:s11] =	ssyncadd.s32 $0xFFFFFF80  }
0xbd: {  	[tilespmem:s9], [sflag:$0x2] =	stream.indirect.gather [hbm4b:s3+s26], $0x80, s6, s26, $0xb8;
	[tilespmem:$0x10A40] =	vst v63  }
0xbe: {  	s15 =	simm.s32 @!p1 $0x0;
	s14 =	rddreg [dreg:$0x5];
	s13 =	sadd.s32 @!p1 $0x0, s13  }
0xbf: {  	[tilespmem:s15], [sflag:$0x1] =	stream.linear.gather @!p1 [hbm4b:s13+s15], $0x80, $0x38;
	[tilespmem:$0x10A40] =	vst v63  }
0xc0: {  	s14 =	sadd.s32 @!p1 $0x0, s14;
	s13 =	simm.s32 @!p1 $0x200  }
0xc1: {  	[tilespmem:s13], [sflag:$0x1] =	stream.linear.gather @!p1 [hbm4b:s14+s15], $0x80, $0x38;
	[tilespmem:$0x10A40] =	vst v63  }
0xc2: {  	_ =	swait.ge [sflag:s4], $0x4000  }
0xc3: {  	[sflag:s4] =	ssyncset.done $0x0  }
0xc4: {  	[sflag:s4] =	ssyncadd.s32 $0xFFFFC000  }
0xc5: {  	[tilespmem:s5], [sflag:$0x3] =	stream.indirect.gather.add.f32 [spmem:s1], $0x80, s0, s26, $0xb8;
	[tilespmem:$0x10A40] =	vst v63  }
0xc6: {  	s17 =	sadd.s32 $0x2000, s17;
	s16 =	sadd.s32 $0x2000, s24;
	_ =	swait.ge [sflag:s8], $0x4000  }
0xc7: {  	s14 =	simm.s32 $0x40;
	s15 =	sadd.s32 $0x2000, s18;
	s23 =	rddreg [dreg:$0x1d]  }
0xc8: {  	s18 =	simm.s32 $0x1;
	[sflag:s8] =	ssyncset.done $0x0;
	s13 =	sadd.s32 $0x2000, s23  }
.LBB2_2:
0xc9: {  	[sflag:s8] =	ssyncadd.s32 $0xFFFFC000  }
0xca: {  	[hbm4b:s23+s2] =	stream.linear.scatter [tilespmem:s30], [sflag:$0x4], $0x4000, $0x38;
	[tilespmem:$0x10A40] =	vst v63  }
0xcb: {  	_ =	swait.ge [sflag:s10], $0x4000  }
0xcc: {  	[sflag:s10] =	ssyncset.done $0x0  }
0xcd: {  	[sflag:s10] =	ssyncadd.s32 $0xFFFFC000  }
0xce: {  	_ =	swait.ge [sflag:s11], $0x80  }
0xcf: {  	[sflag:s11] =	ssyncset.done $0x0  }
0xd0: {  	[sflag:s11] =	ssyncadd.s32 $0xFFFFFF80  }
0xd1: {  	_ =	swait.ge [sflag:s11], $0x80  }
0xd2: {  	s20 =	smov.u32 s14;
	[sflag:s11] =	ssyncset.done $0x0;
	s21 =	rddreg [dreg:$0x6]  }
0xd3: {  	s19 =	rddreg [dreg:$0x7];
	[sflag:s11] =	ssyncadd.s32 $0xFFFFFF80;
	s22 =	sadd.s32 s20, s21  }
0xd4: {  	[tilespmem:s28], [sflag:$0x2] =	stream.indirect.gather [hbm4b:s3+s26], $0x80, s2, s26, $0xb8;
	[tilespmem:$0x10A40] =	vst v63  }
0xd5: {  	s21 =	sadd.s32 s20, s19;
	s24 =	sadd.s32 $0x50, s22  }
0xd6: {  	[tilespmem:s26], [sflag:$0x1] =	stream.linear.gather [hbm4b:s24+s2], $0x80, $0x38;
	[tilespmem:$0x10A40] =	vst v63  }
0xd7: {  	s19 =	sadd.s32 $0x50, s21  }
0xd8: {  	[tilespmem:s29], [sflag:$0x1] =	stream.linear.gather [hbm4b:s19+s2], $0x80, $0x38;
	[tilespmem:$0x10A40] =	vst v63  }
0xd9: {  	_ =	swait.ge [sflag:s4], $0x4000  }
0xda: {  	[sflag:s4] =	ssyncset.done $0x0  }
0xdb: {  	[sflag:s4] =	ssyncadd.s32 $0xFFFFC000  }
0xdc: {  	[tilespmem:s9], [sflag:$0x3] =	stream.indirect.gather.add.f32 [spmem:s1], $0x80, s7, s26, $0xb8;
	[tilespmem:$0x10A40] =	vst v63  }
0xdd: {  	_ =	swait.ge [sflag:s8], $0x4000  }
0xde: {  	[sflag:s8] =	ssyncset.done $0x0  }
0xdf: {  	[sflag:s8] =	ssyncadd.s32 $0xFFFFC000  }
0xe0: {  	[hbm4b:s15+s2] =	stream.linear.scatter [tilespmem:s5], [sflag:$0x4], $0x4000, $0x38;
	[tilespmem:$0x10A40] =	vst v63  }
0xe1: {  	_ =	swait.ge [sflag:s10], $0x4000  }
0xe2: {  	[sflag:s10] =	ssyncset.done $0x0  }
0xe3: {  	[sflag:s10] =	ssyncadd.s32 $0xFFFFC000  }
0xe4: {  	_ =	swait.ge [sflag:s11], $0x80  }
0xe5: {  	[sflag:s11] =	ssyncset.done $0x0  }
0xe6: {  	[sflag:s11] =	ssyncadd.s32 $0xFFFFFF80  }
0xe7: {  	_ =	swait.ge [sflag:s11], $0x80  }
0xe8: {  	[sflag:s11] =	ssyncset.done $0x0  }
0xe9: {  	s19 =	rddreg [dreg:$0x8];
	[sflag:s11] =	ssyncadd.s32 $0xFFFFFF80  }
0xea: {  	[tilespmem:s30], [sflag:$0x2] =	stream.indirect.gather [hbm4b:s3+s26], $0x80, s26, s26, $0xb8;
	[tilespmem:$0x10A40] =	vst v63  }
0xeb: {  	s24 =	rddreg [dreg:$0x9];
	s19 =	sadd.s32 s20, s19  }
0xec: {  	[tilespmem:s31], [sflag:$0x1] =	stream.linear.gather [hbm4b:s19+s2], $0x80, $0x38;
	[tilespmem:$0x10A40] =	vst v63  }
0xed: {  	s24 =	sadd.s32 s20, s24  }
0xee: {  	[tilespmem:s0], [sflag:$0x1] =	stream.linear.gather [hbm4b:s24+s2], $0x80, $0x38;
	[tilespmem:$0x10A40] =	vst v63  }
0xef: {  	_ =	swait.ge [sflag:s4], $0x4000  }
0xf0: {  	[sflag:s4] =	ssyncset.done $0x0  }
0xf1: {  	[sflag:s4] =	ssyncadd.s32 $0xFFFFC000  }
0xf2: {  	[tilespmem:s28], [sflag:$0x3] =	stream.indirect.gather.add.f32 [spmem:s1], $0x80, s25, s26, $0xb8;
	[tilespmem:$0x10A40] =	vst v63  }
0xf3: {  	_ =	swait.ge [sflag:s8], $0x4000  }
0xf4: {  	[sflag:s8] =	ssyncset.done $0x0  }
0xf5: {  	[sflag:s8] =	ssyncadd.s32 $0xFFFFC000  }
0xf6: {  	[hbm4b:s17+s2] =	stream.linear.scatter [tilespmem:s9], [sflag:$0x4], $0x4000, $0x38;
	[tilespmem:$0x10A40] =	vst v63  }
0xf7: {  	_ =	swait.ge [sflag:s10], $0x4000  }
0xf8: {  	[sflag:s10] =	ssyncset.done $0x0  }
0xf9: {  	[sflag:s10] =	ssyncadd.s32 $0xFFFFC000  }
0xfa: {  	_ =	swait.ge [sflag:s11], $0x80  }
0xfb: {  	[sflag:s11] =	ssyncset.done $0x0  }
0xfc: {  	[sflag:s11] =	ssyncadd.s32 $0xFFFFFF80  }
0xfd: {  	_ =	swait.ge [sflag:s11], $0x80  }
0xfe: {  	[sflag:s11] =	ssyncset.done $0x0  }
0xff: {  	[sflag:s11] =	ssyncadd.s32 $0xFFFFFF80  }
0x100: {  	[tilespmem:s5], [sflag:$0x2] =	stream.indirect.gather [hbm4b:s3+s26], $0x80, s31, s26, $0xb8;
	[tilespmem:$0x10A40] =	vst v63  }
0x101: {  	s24 =	sadd.s32 $0x70, s22  }
0x102: {  	[tilespmem:s6], [sflag:$0x1] =	stream.linear.gather [hbm4b:s24+s2], $0x80, $0x38;
	[tilespmem:$0x10A40] =	vst v63  }
0x103: {  	s21 =	sadd.s32 $0x70, s21  }
0x104: {  	[tilespmem:s7], [sflag:$0x1] =	stream.linear.gather [hbm4b:s21+s2], $0x80, $0x38;
	[tilespmem:$0x10A40] =	vst v63  }
0x105: {  	_ =	swait.ge [sflag:s4], $0x4000  }
0x106: {  	[sflag:s4] =	ssyncset.done $0x0  }
0x107: {  	[sflag:s4] =	ssyncadd.s32 $0xFFFFC000  }
0x108: {  	[tilespmem:s30], [sflag:$0x3] =	stream.indirect.gather.add.f32 [spmem:s1], $0x80, s29, s26, $0xb8;
	[tilespmem:$0x10A40] =	vst v63  }
0x109: {  	_ =	swait.ge [sflag:s8], $0x4000  }
0x10a: {  	[sflag:s8] =	ssyncset.done $0x0  }
0x10b: {  	[sflag:s8] =	ssyncadd.s32 $0xFFFFC000  }
0x10c: {  	[hbm4b:s16+s2] =	stream.linear.scatter [tilespmem:s28], [sflag:$0x4], $0x4000, $0x38;
	[tilespmem:$0x10A40] =	vst v63  }
0x10d: {  	_ =	swait.ge [sflag:s10], $0x4000  }
0x10e: {  	[sflag:s10] =	ssyncset.done $0x0  }
0x10f: {  	[sflag:s10] =	ssyncadd.s32 $0xFFFFC000  }
0x110: {  	_ =	swait.ge [sflag:s11], $0x80  }
0x111: {  	[sflag:s11] =	ssyncset.done $0x0  }
0x112: {  	[sflag:s11] =	ssyncadd.s32 $0xFFFFFF80  }
0x113: {  	_ =	swait.ge [sflag:s11], $0x80  }
0x114: {  	s18 =	sadd.s32 $0x1, s18;
	[sflag:s11] =	ssyncset.done $0x0  }
0x115: {  	p2 =	sgt.u32 s18, $0x30;
	s19 =	rddreg [dreg:$0x4];
	[sflag:s11] =	ssyncadd.s32 $0xFFFFFF80  }
0x116: {  	[tilespmem:s9], [sflag:$0x2] =	stream.indirect.gather [hbm4b:s3+s26], $0x80, s6, s26, $0xb8;
	[tilespmem:$0x10A40] =	vst v63  }
0x117: {  	s22 =	simm.s32 @!p2 $0x0;
	s21 =	rddreg [dreg:$0x5];
	s19 =	sadd.s32 @!p2 s20, s19  }
0x118: {  	[tilespmem:s22], [sflag:$0x1] =	stream.linear.gather @!p2 [hbm4b:s19+s22], $0x80, $0x38;
	[tilespmem:$0x10A40] =	vst v63  }
0x119: {  	s14 =	sadd.s32 $0x40, s14;
	s24 =	simm.s32 @!p2 $0x200;
	s19 =	sadd.s32 @!p2 s20, s21  }
0x11a: {  	[tilespmem:s24], [sflag:$0x1] =	stream.linear.gather @!p2 [hbm4b:s19+s22], $0x80, $0x38;
	[tilespmem:$0x10A40] =	vst v63  }
0x11b: {  	p1 =	sne.s32 s14, $0xC40;
	_ =	swait.ge [sflag:s4], $0x4000  }
.Ltmp0:
0x11c: {  	[sflag:s4] =	ssyncset.done $0x0;
	(pc) =	sbr.rel @p1 .LBB2_2-.Ltmp0, $4  }
0x11d: {  	s23 =	smov.u32 s13;
	[sflag:s4] =	ssyncadd.s32 $0xFFFFC000  }
0x11e: {  	[tilespmem:s5], [sflag:$0x3] =	stream.indirect.gather.add.f32 [spmem:s1], $0x80, s0, s26, $0xb8;
	[tilespmem:$0x10A40] =	vst v63  }
0x11f: {  	s13 =	sadd.s32 $0x2000, s13;
	s15 =	sadd.s32 $0x2000, s15;
	_ =	swait.ge [sflag:s8], $0x4000  }
0x120: {  	s17 =	sadd.s32 $0x2000, s17;
	s16 =	sadd.s32 $0x2000, s16;
	[sflag:s8] =	ssyncset.done $0x0  }
0x121: {  	[sflag:s8] =	ssyncadd.s32 $0xFFFFC000  }
0x122: {  	[hbm4b:s23+s2] =	stream.linear.scatter [tilespmem:s30], [sflag:$0x4], $0x4000, $0x38;
	[tilespmem:$0x10A40] =	vst v63  }
0x123: {  	_ =	swait.ge [sflag:s4], $0x4000  }
0x124: {  	[sflag:s4] =	ssyncset.done $0x0  }
0x125: {  	[sflag:s4] =	ssyncadd.s32 $0xFFFFC000  }
0x126: {  	[tilespmem:s9], [sflag:$0x3] =	stream.indirect.gather.add.f32 [spmem:s1], $0x80, s7, s26, $0xb8;
	[tilespmem:$0x10A40] =	vst v63  }
0x127: {  	_ =	swait.ge [sflag:s8], $0x4000  }
0x128: {  	[sflag:s8] =	ssyncset.done $0x0  }
0x129: {  	s13 =	rddreg [dreg:$0x17];
	[sflag:s8] =	ssyncadd.s32 $0xFFFFC000  }
0x12a: {  	[hbm4b:s13+s2] =	stream.linear.scatter [tilespmem:s5], [sflag:$0x4], $0x4000, $0x38;
	[tilespmem:$0x10A40] =	vst v63  }
0x12b: {  	_ =	swait.ge [sflag:s8], $0x4000  }
0x12c: {  	[sflag:s8] =	ssyncset.done $0x0  }
0x12d: {  	s23 =	rddreg [dreg:$0x18];
	[sflag:s8] =	ssyncadd.s32 $0xFFFFC000  }
0x12e: {  	[hbm4b:s23+s2] =	stream.linear.scatter [tilespmem:s9], [sflag:$0x4], $0x4000, $0x38;
	[tilespmem:$0x10A40] =	vst v63  }
0x12f: {  	_ =	swait.ge [sflag:s10], $0x4000  }
0x130: {  	[sflag:s10] =	ssyncset.done $0x0  }
0x131: {  	[sflag:s10] =	ssyncadd.s32 $0xFFFFC000  }
0x132: {  	_ =	swait.ge [sflag:s10], $0x4000  }
0x133: {  	[sflag:s10] =	ssyncset.done $0x0  }
0x134: {  	[sflag:s10] =	ssyncadd.s32 $0xFFFFC000  }
0x135: {  	_ =	swait.ge [sflag:s10], $0x4000  }
0x136: {  	[sflag:s10] =	ssyncset.done $0x0  }
0x137: {  	[sflag:s10] =	ssyncadd.s32 $0xFFFFC000  }
0x138: {  	_ =	swait.ge [sflag:s10], $0x4000  }
0x139: {  	s12 =	sadd.s32 $0x1, s12;
	s24 =	rddreg [dreg:$0x19]  }
0x13a: {  	p1 =	sne.s32 s12, s24  }
.Ltmp1:
0x13b: {  	_ = 	snop;
	(pc) =	sbr.rel @p1 .LBB2_1-.Ltmp1, $3  }
0x13c: {  	_ =	sdelay $0x1  }
0x13d: {  	[sflag:s10] =	ssyncset.done $0x0  }
0x13e: {  	[sflag:s10] =	ssyncadd.s32 $0xFFFFC000  }
0x13f: {  	_ =	sfence.sel $0x180000  }
0x140: {  	[bflag:$0x0] =	sbarrier.arrive $0xFFFF  }
0x141: {  	_ =	strace $0x90000047  }
0x142: {  	[bflag:$0x2] =	sbarrier.arrive $0xFFFF  }
0x143: {  	s0 =	rddreg [dreg:$0x3]  }
0x144: {  	s0 =	sadd.s32 @!p0 $0x100000, s0  }
0x145: {  	[sflag:s0] =	ssyncadd.tile.s32 @!p0 $0x1;
	_ =	shalt  }
.Lfunc_end2:
_tile_overlayer_lowered:
.L_overlay_start_2:
0x146: {  	(tag) =	ssettag $0x2  }
0x147: {  	s0 =	rddreg [dreg:$0x0];
	s2 =	stileid.u32  }
0x148: {  	s1 =	rddreg [dreg:$0x1];
	p0 =	sne.s32 s2, $0x0  }
0x149: {  	s3 =	rddreg [dreg:$0x2];
	[bflag:$0x3] =	sbarrier.arrive $0xFFFF;
	s2 =	simm.s32 @!p0 $0x1C05  }
0x14a: {  	[timem:s3], [sflag:s2] =	dma.local @!p0 [hbm:s0], s1  }
0x14b: {  	s0 =	simm.s32 @!p0 $0x5  }
0x14c: {  	_ =	swait.ge @!p0 [sflag:s0], s1  }
0x14d: {  	s1 =	ssub.s32 @!p0 $0x0, s1;
	[sflag:s0] =	ssyncset.done @!p0 $0x0  }
0x14e: {  	[sflag:s0] =	ssyncadd.s32 @!p0 s1  }
0x14f: {  	[bflag:$0x3] =	sbarrier.arrive $0xFFFF  }
0x150: {  	_ =	shalt  }

// kernel: sparse-core-data-format-call.cloned.1.call-start
scs
called_computation_lowered:
.L_overlay_start_0:
0x0: {  	s2 =	sld [smem:$0x3FD9]  }
0x1: {  	s3 =	sld [smem:$0x3FFE];
	_ =	sdelay $0x1  }
0x2: {  	s1 =	srdreg.scid  }
0x3: {  	s0 =	sand.u32 $0x1, s1  }
0x4: {  	s18 =	sshll.u32 s0, $0xA;
	s2 =	sadd.s32 s3, s2  }
0x5: {  	s2 =	sadd.s32 s2, s18  }
0x6: {  	[smem:$0x3FC4] =	sst s2  }
0x7: {  	_ = 	snop  }
0x8: {  	s2 =	sld [smem:$0x3FD0];
	(tm) =	ssettm $0x1  }
0x9: {  	s19 =	sld [smem:$0x3FFB];
	_ =	sdelay $0x3  }
0xa: {  	_ =	strace s19  }
0xb: {  	s3 =	sld [smem:$0x3FFC];
	_ =	sdelay $0x3  }
0xc: {  	_ =	strace s3  }
0xd: {  	s3 =	sld [smem:$0x3FFD];
	_ =	sdelay $0x3  }
0xe: {  	_ =	strace s3  }
0xf: {  	_ =	strace $0x8FFFFFFF  }
0x10: {  	s20 =	sld [smem:$0x3FDB];
	_ =	sdelay $0x1  }
0x11: {  	s4 =	simm.s32 $_scs_section_size  }
0x12: {  	s5 =	simm.s32 $_size__tile_overlayer_lowered;
	s6 =	simm.s32 $_tile_overlayer_lowered  }
0x13: {  	s23 =	simm.s32 $0x1BFF;
	s22 =	sshll.u32 s6, $0x1;
	s3 =	sadd.s32 s4, s20  }
0x14: {  	s7 =	simm.s32 $0x0;
	s21 =	sshll.u32 s5, $0x1;
	s5 =	sadd.s32 s22, s3  }
0x15: {  	[timem:s7], [sflag:s23] =	dma.local [hbm:s5], s21  }
0x16: {  	_ =	swait.ge [sflag:s23], s21  }
0x17: {  	s4 =	ssub.s32 $0x0, s21;
	[sflag:s23] =	ssyncset.done $0x0  }
0x18: {  	[sflag:s23] =	ssyncadd.s32 s4;
	_ =	sdelay $0x1  }
0x19: {  	s24 =	simm.s32 $0x1B8B  }
0x1a: {  	_ =	swait.ge [sflag:s24], $0x1  }
0x1b: {  	[sflag:s24] =	ssyncset.done $0x0  }
0x1c: {  	s26 =	simm.s32 $0x1B8E;
	s25 =	sld [smem:$0x3FFE];
	[sflag:s24] =	ssyncadd.s32 $0xFFFFFFFF  }
0x1d: {  	s27 =	simm.s32 $execute0_lowered;
	[smem:$0x3FD2] =	sst s26  }
0x1e: {  	s5 =	sshll.u32 s27, $0x1;
	_ =	strace $0x80000049;
	[dreg:$0x1] =	wrdreg $0xFFFFFFFF  }
0x1f: {  	s28 =	simm.s32 $_size_execute0_lowered;
	s3 =	sadd.s32 s3, s5;
	[dreg:$0x0] =	wrdreg $0x0  }
0x20: {  	s5 =	sshll.u32 s28, $0x1;
	[dreg:$0x2] =	wrdreg s3  }
0x21: {  	[dreg:$0x3] =	wrdreg s5  }
0x22: {  	[dreg:$0x4] =	wrdreg $0xC0  }
0x23: {  	_ =	task [dreg:s7], $0x5FFFF  }
0x24: {  	[dreg:$0x1] =	wrdreg $0xFFFFFFFF  }
0x25: {  	[dreg:$0x0] =	wrdreg $0x60  }
0x26: {  	[dreg:$0x2] =	wrdreg s25  }
0x27: {  	[dreg:$0x3] =	wrdreg s2  }
0x28: {  	[dreg:$0x4] =	wrdreg $0x9  }
0x29: {  	_ =	task.clear_ibuf [dreg:s7], $0x5FFFF;
	_ =	strace $0x90000049  }
0x2a: {  	s29 =	simm.s32 $0x9;
	_ =	strace $0x8000004B  }
0x2b: {  	_ =	swait.ge [sflag:s29], $0x1  }
0x2c: {  	[sflag:s29] =	ssyncadd.s32 $0xFFFFFFFF  }
0x2d: {  	_ =	strace $0x9000004B  }
0x2e: {  	_ =	sfence  }
0x2f: {  	s30 =	sld [smem:$0x0];
	_ =	sdelay $0x2  }
0x30: {  	s31 =	sshll.u32 s1, $0xD;
	s1 =	sshrl.u32 s1, $0x2  }
0x31: {  	s3 =	sand.u32 $0x4000, s31;
	s1 =	sadd.s32 s1, s30  }
0x32: {  	s0 =	sor.u32 s3, s0;
	s1 =	sshll.u32 s1, $0x11  }
0x33: {  	s0 =	sor.u32 s1, s0  }
0x34: {  	s0 =	sadd.s32 $0x8F2B, s0  }
0x35: {  	[sflag:s0] =	ssyncadd.remote.s32 $0x1  }
0x36: {  	_ =	sfence.sel $0xFFFF  }
0x37: {  	[dreg:$0x0] =	wrdreg $0xFFFFFFFF;
	(pc) =	sbr.abs _section_cstart, $3  }
0x38: {  	[dreg:$0x1] =	wrdreg $0xFFFFFFFF  }
0x39: {  	_ =	task.clear_ibuf [dreg:s7], $0x2FFFF;
	_ =	strace $0x9FFFFFFF  }
0x3a: {  	(tm) =	ssettm $0x7FFFFFFF  }
0x3b: {  	_ =	shalt  }
tec
execute0_lowered:
.L_overlay_start_1:
0x0: {  	(tag) =	ssettag $0x1  }
0x1: {  	s0 =	srdreg.scid  }
0x2: {  	s1 =	sshll.u32 s0, $0x4  }
0x3: {  	s5 =	rddreg [dreg:$0x0];
	s0 =	stileid.u32;
	s1 =	sand.u32 $0x10, s1  }
0x4: {  	s3 =	rddreg [dreg:$0x1];
	s31 =	simm.s32 $0x2;
	s4 =	sor.u32 s0, s1  }
0x5: {  	s13 =	simm.s32 $0x0;
	s9 =	simm.s32 $0x400;
	s2 =	sshll.u32 s4, $0x7  }
0x6: {  	s10 =	simm.s32 $0x8000;
	s14 =	simm.s32 $0x0;
	s6 =	ssub.s32 $0x1000, s2  }
0x7: {  	s1 =	rddreg [dreg:$0x2];
	_ =	strace $0x8000004A;
	s7 =	sand.u32 $0xF80, s6  }
0x8: {  	s4 =	sshll.u32 s4, $0xB;
	p0 =	sne.s32 s7, $0x0;
	s7 =	simm.s32 $0x1  }
.Ltmp0:
0x9: {  	s6 =	sshrl.u32 s6, $0xC;
	s7 =	simm.s32 @!p0 $0x0;
	(pc) =	sbr.rel .LBB1_1-.Ltmp0, $4  }
0xa: {  	s8 =	sadd.s32 s4, s5;
	s4 =	simm.s32 $0x1;
	s30 =	sadd.s32 s7, s6  }
0xb: {  	s11 =	simm.s32 $0x0;
	[sflag:s4] =	ssyncpa.u1 $0x0;
	s5 =	smul.u32 $0x64, s30  }
0xc: {  	s12 =	simm.s32 $0x0;
	[sflag:s31] =	ssyncpa.u1 $0x0;
	p0 =	por $0x0, $0x0  }
0xd: {  	s6 =	sadd.s32 $0x1000, s8;
	s7 =	sadd.s32 $0x11000, s8;
	s8 =	sor.u32 $0x1, s5  }
.LBB1_7:
0xe: {  	s15 =	sadd.s32 $0x2, s11  }
0xf: {  	p2 =	sgt.s32 s15, $0xC7  }
0x10: {  	s15 =	simm.s32 @p2 $0x0;
	p2 =	sne.s32 s12, s8  }
.Ltmp1:
0x11: {  	p1 =	slt.u32 s12, $0x2;
	(pc) =	sbr.rel @!p2 .LBB1_8-.Ltmp1, $4  }
0x12: {  	s13 =	simm.s32 @!p1 $0x2  }
0x13: {  	s16 =	sadd.s32 $0x1, s12;
	s14 =	smov.u32 s11;
	_ =	swait.ge @!p1 [sflag:s13], $0x4000  }
0x14: {  	p0 =	por !p0, !p0;
	s12 =	smov.u32 s16;
	[sflag:s13] =	ssyncset.done @!p1 $0x0  }
0x15: {  	s11 =	smov.u32 s15;
	[sflag:s13] =	ssyncadd.s32 @!p1 $0xFFFFC000;
	s13 =	smov.u32 s2  }
.LBB1_1:
0x16: {  	p1 =	sge.u32 s12, s5  }
0x17: {  	s15 =	sxor.u32 @!p1 $0xFFFFFFFF, s12  }
0x18: {  	s16 =	sshll.u32 @!p1 s11, $0x10;
	s18 =	simm.s32 @!p1 $0x40;
	s15 =	sshll.u32 @!p1 s15, $0xE  }
0x19: {  	s19 =	simm.s32 @!p1 $0x80;
	s17 =	sadd.s32 @!p1 s16, s6;
	s15 =	sand.u32 @!p1 $0x4000, s15  }
0x1a: {  	[tilespmem:s15], [sflag:$0x1] =	stream.strided.gather @!p1 [hbm4b:s17+s18], $0x2000, s19, s18, $0x38;
	[tilespmem:$0x10100] =	vst v63  }
0x1b: {  	s31 =	sadd.s32 $0xFFFFFFFF, s12;
	s16 =	sadd.s32 @!p1 s16, s7;
	s15 =	sor.u32 @!p1 $0x2000, s15  }
0x1c: {  	[tilespmem:s15], [sflag:$0x1] =	stream.strided.gather @!p1 [hbm4b:s16+s18], $0x2000, s19, s18, $0x38;
	[tilespmem:$0x10100] =	vst v63  }
0x1d: {  	p1 =	sge.u32 s31, s5  }
.Ltmp2:
0x1e: {  	_ = 	snop;
	(pc) =	sbr.rel @p1 .LBB1_7-.Ltmp2, $1  }
0x1f: {  	_ =	sdelay $0x3  }
0x20: {  	s15 =	simm.s32 $0x1;
	s17 =	sand.u32 $0x1, s12  }
0x21: {  	_ =	swait.ge [sflag:s4], $0x4000;
	s15 =	simm.s32 @!p0 $0x0;
	s17 =	smul.u32 $0x10200, s17  }
0x22: {  	p2 =	por $0x1, $0x1;
	[sflag:s4] =	ssyncset.done $0x0;
	s16 =	smul.u32 $0x10200, s15  }
0x23: {  	s18 =	sshll.u32 s15, $0x10;
	[sflag:s4] =	ssyncadd.s32 $0xFFFFC000;
	s30 =	sshrl.u32 s17, $0x2  }
0x24: {  	s31 =	sshrl.u32 s18, $0x2;
	s18 =	simm.s32 $0x0;
	s16 =	sshrl.u32 s16, $0x2  }
0x25: {  	s15 =	sor.u32 $0x8000, s30;
	s17 =	sadd.s32 $0x20, s31;
	s16 =	sor.u32 $0x8000, s16  }
.LBB1_3:
0x26: {  	s19 =	sshll.u32 s18, $0xD  }
0x27: {  	s19 =	sand.u32 $0x3FFFE000, s19  }
0x28: {  	s21 =	sadd.s32 s19, s17  }
0x29: {  	s31 =	smul.u32 $0x8100, s18;
	v3 =	vld [tilespmem:s21+$0x10]  }
0x2a: {  	v1 =	vld [tilespmem:s21+$0xFFFFFFF0]  }
0x2b: {  	s18 =	sshra.s32 s31, $0x2;
	v0 =	vld [tilespmem:s21+$0x0]  }
0x2c: {  	s18 =	sadd.s32 s18, s16;
	v2 =	vld [tilespmem:s21+$0xFFFFFFE0]  }
0x2d: {  	s19 =	sadd.s32 $0x0, s18  }
0x2e: {  	p1 =	por p2, p2;
	s20 =	simm.s32 $0x4;
	s21 =	sadd.s32 $0x40, s21;
	[tilespmem:s19+$0x1830 ss:$0x81] =	vst.msk $0xffff, v3  }
.LBB1_4:
0x2f: {  	v3 =	vld [tilespmem:s21+$0x10];
	p2 =	sne.s32 s20, $0x1FC;
	[tilespmem:s19+$0x810 ss:$0x81] =	vst.msk $0xffff, v1;
	s22 =	smov.u32 s20;
	s20 =	sadd.s32 $0x4, s20  }
.Ltmp3:
0x30: {  	v1 =	vld [tilespmem:s21+$0xFFFFFFF0];
	[tilespmem:s19+$0x1020 ss:$0x81] =	vst.msk $0xffff, v0;
	(pc) =	sbr.rel @p2 .LBB1_4-.Ltmp3, $4  }
0x31: {  	v0 =	vld [tilespmem:s21+$0x0];
	[tilespmem:s19+$0x0 ss:$0x81] =	vst.msk $0xffff, v2  }
0x32: {  	s19 =	sshra.s32 s22, $0x2;
	v2 =	vld [tilespmem:s21+$0xFFFFFFE0]  }
0x33: {  	s19 =	sadd.s32 s19, s18  }
0x34: {  	s21 =	sadd.s32 $0x40, s21;
	[tilespmem:s19+$0x1830 ss:$0x81] =	vst.msk $0xffff, v3  }
.Ltmp4:
0x35: {  	(pc) =	sbr.rel @p1 .LBB1_3-.Ltmp4, $4  }
0x36: {  	_ = 	snop  }
0x37: {  	[tilespmem:s19+$0x810 ss:$0x81] =	vst.msk $0xffff, v1  }
0x38: {  	[tilespmem:s19+$0x1020 ss:$0x81] =	vst.msk $0xffff, v0  }
0x39: {  	s18 =	simm.s32 $0x1;
	p2 =	por $0x0, $0x0;
	[tilespmem:s19+$0x0 ss:$0x81] =	vst.msk $0xffff, v2  }
.Ltmp5:
0x3a: {  	(pc) =	sbr.rel .LBB1_7-.Ltmp5, $4  }
0x3b: {  	s14 =	sshll.u32 s14, $0xF  }
0x3c: {  	s14 =	sadd.s32 s3, s14  }
0x3d: {  	s13 =	sadd.s32 s13, s14  }
0x3e: {  	[hbm4b:s13+s9] =	stream.strided.scatter [tilespmem:s15], [sflag:$0x2], $0x4000, s10, s9, $0x20;
	[tilespmem:$0x10100] =	vst v63  }
.LBB1_8:
0x3f: {  	_ =	sfence.sel $0x180000  }
0x40: {  	s2 =	simm.s32 $0x1;
	[bflag:$0x0] =	sbarrier.arrive $0xFFFF  }
0x41: {  	s31 =	simm.s32 $0x2;
	[sflag:s2] =	ssyncpa.u1 $0x1  }
0x42: {  	[sflag:s31] =	ssyncpa.u1 $0x1  }
0x43: {  	p0 =	sne.s32 s0, $0x0;
	_ =	strace $0x9000004A  }
0x44: {  	s0 =	sadd.s32 @!p0 $0x100000, s1;
	[bflag:$0x2] =	sbarrier.arrive $0xFFFF  }
0x45: {  	[sflag:s0] =	ssyncadd.tile.s32 @!p0 $0x1;
	_ =	shalt  }
.Lfunc_end1:
_tile_overlayer_lowered:
.L_overlay_start_2:
0x46: {  	(tag) =	ssettag $0x2  }
0x47: {  	s0 =	rddreg [dreg:$0x0];
	s2 =	stileid.u32  }
0x48: {  	s1 =	rddreg [dreg:$0x1];
	p0 =	sne.s32 s2, $0x0  }
0x49: {  	s3 =	rddreg [dreg:$0x2];
	[bflag:$0x3] =	sbarrier.arrive $0xFFFF;
	s2 =	simm.s32 @!p0 $0x1C01  }
0x4a: {  	[timem:s3], [sflag:s2] =	dma.local @!p0 [hbm:s0], s1  }
0x4b: {  	s0 =	simm.s32 @!p0 $0x1  }
0x4c: {  	_ =	swait.ge @!p0 [sflag:s0], s1  }
0x4d: {  	s1 =	ssub.s32 @!p0 $0x0, s1;
	[sflag:s0] =	ssyncset.done @!p0 $0x0  }
0x4e: {  	[sflag:s0] =	ssyncadd.s32 @!p0 s1  }
0x4f: {  	[bflag:$0x3] =	sbarrier.arrive $0xFFFF  }
0x50: {  	_ =	shalt  }

</sc_bundles>
